<compile_context>
chip_gen: v7x
topology: tpu7x:2x2x1
jax: 0.10.2.dev20260603
libtpu: 0.0.44.dev20260713+nightly
codegen_flags: <defaults>
</compile_context>

<pallas_src>
import functools

import jax
import jax.numpy as jnp
from jax import lax
from jax.experimental import pallas as pl
from jax.experimental.pallas import tpu as pltpu
from jax.experimental.pallas import tpu_sc as plsc

EPS = 1e-7
C = 81
CP = 128
BN = 2000
NW = 32
PER_W = 512


def _stats_body(ts_ref, os_ref, od_ref, td_ref, gd_ref, cnt_ref, lsum_ref):
    ts = ts_ref[...]
    osc = os_ref[...]
    iosc = lax.broadcasted_iota(jnp.int32, (BN, C), 1).astype(jnp.float32)
    label_f = jnp.sum(ts * iosc, axis=1, keepdims=True)
    rowsum = jnp.sum(osc, axis=1, keepdims=True)
    osat = jnp.sum(ts * osc, axis=1, keepdims=True)
    ratio = jnp.clip(osat / rowsum, EPS, 1.0 - EPS)
    nll = -jnp.log(ratio)

    q_div = lax.broadcasted_iota(jnp.int32, (C, 4 * C), 1) // 4
    c_row = lax.broadcasted_iota(jnp.int32, (C, 4 * C), 0)
    rmat = (q_div == c_row).astype(jnp.float32)
    q_mod = lax.broadcasted_iota(jnp.int32, (4 * C, 4), 0) % 4
    j_col = lax.broadcasted_iota(jnp.int32, (4 * C, 4), 1)
    smat = (q_mod == j_col).astype(jnp.float32)
    tsr = jnp.dot(ts, rmat, preferred_element_type=jnp.float32)
    god = jnp.dot(od_ref[...] * tsr, smat,
                  preferred_element_type=jnp.float32)
    gtd = jnp.dot(td_ref[...] * tsr, smat,
                  preferred_element_type=jnp.float32)
    gd_ref[...] = jnp.concatenate(
        [god, gtd, label_f, jnp.zeros((BN, 7), jnp.float32)], axis=1)

    pad = jnp.zeros((1, CP - C), jnp.float32)
    cvec = jnp.concatenate([jnp.sum(ts, axis=0, keepdims=True), pad], axis=1)
    lvec = jnp.concatenate([jnp.sum(ts * nll, axis=0, keepdims=True), pad],
                           axis=1)

    step = pl.program_id(0)

    @pl.when(step == 0)
    def _():
        cnt_ref[...] = jnp.zeros((1, CP), jnp.float32)
        lsum_ref[...] = jnp.zeros((1, CP), jnp.float32)

    cnt_ref[...] += cvec
    lsum_ref[...] += lvec


def _make_sc_kernel():
    mesh = plsc.VectorSubcoreMesh(core_axis_name="c", subcore_axis_name="s")

    @functools.partial(
        pl.kernel,
        mesh=mesh,
        out_type=jax.ShapeDtypeStruct((NW, 16), jnp.float32),
        compiler_params=pltpu.CompilerParams(
            needs_layout_passes=False, use_tc_tiling_on_sc=False),
        scratch_types=[
            pltpu.VMEM((PER_W, 16), jnp.float32),
            pltpu.VMEM((1, CP), jnp.float32),
            pltpu.VMEM((CP,), jnp.float32),
            pltpu.VMEM((PER_W,), jnp.float32),
            pltpu.VMEM((16,), jnp.float32),
        ],
    )
    def sc_kernel(gd_hbm, cnt_hbm, out_hbm, gd_v, cnt_v, wtab_v, w_all, acc_v):
        wid = lax.axis_index("c") * 16 + lax.axis_index("s")
        pltpu.sync_copy(gd_hbm.at[pl.ds(wid * PER_W, PER_W)], gd_v)
        pltpu.sync_copy(cnt_hbm, cnt_v)

        total = jnp.zeros((16,), jnp.float32)
        for k in range(CP // 16):
            total = total + cnt_v[0, pl.ds(k * 16, 16)]
        total = jnp.sum(total)
        p_fg = total - cnt_v[0, pl.ds(0, 16)][0]
        lane = lax.iota(jnp.int32, 16)
        for k in range(CP // 16):
            cv = cnt_v[0, pl.ds(k * 16, 16)]
            w = 1.0 / (1.0 + jnp.exp(-(p_fg / jnp.maximum(cv, EPS))))
            if k == 0:
                w = jnp.where(lane == 0, 0.0, w)
            wtab_v[pl.ds(k * 16, 16)] = w

        lane8 = jnp.full((16,), 8, jnp.int32)
        for k in range(PER_W // 16):
            lblf = plsc.load_gather(gd_v, [k * 16 + lane, lane8])
            lbl = lblf.astype(jnp.int32)
            w_all[pl.ds(k * 16, 16)] = plsc.load_gather(wtab_v, [lbl])

        def body(g, acc):
            e = g * 16 + lane
            row = e // 4
            jj = e % 4
            od = plsc.load_gather(gd_v, [row, jj])
            td = plsc.load_gather(gd_v, [row, jj + 4])
            w = plsc.load_gather(w_all, [row])
            d = jnp.abs(od - td) * w
            h = jnp.where(d < 1.0, 0.5 * d * d, d - 0.5)
            return acc + h

        acc = lax.fori_loop(0, PER_W * 4 // 16, body,
                            jnp.zeros((16,), jnp.float32))
        acc_v[...] = acc
        pltpu.sync_copy(acc_v, out_hbm.at[wid])

    return sc_kernel


def _final_body(nrows, cnt_ref, lsum_ref, part_ref, out_ref):
    cnt = cnt_ref[...]
    lsum = lsum_ref[...]
    part = part_ref[...]
    total = jnp.sum(cnt)
    p_fg = total - cnt[0, 0]
    w_cls = 1.0 / (1.0 + jnp.exp(-(total / jnp.maximum(cnt, EPS))))
    cls = jnp.sum(w_cls * lsum) / nrows
    reg = jnp.sum(part) / jnp.maximum(EPS, p_fg)
    out_ref[...] = jnp.broadcast_to(cls + reg, (1, 1))


def kernel(target_deltas, target_scores, output_deltas, output_scores):
    b, n, c = target_scores.shape
    nt = b * n

    gd_p, counts, lsum = pl.pallas_call(
        _stats_body,
        grid=(nt // BN,),
        in_specs=[
            pl.BlockSpec((BN, c), lambda i: (i, 0)),
            pl.BlockSpec((BN, c), lambda i: (i, 0)),
            pl.BlockSpec((BN, 4 * c), lambda i: (i, 0)),
            pl.BlockSpec((BN, 4 * c), lambda i: (i, 0)),
        ],
        out_specs=[
            pl.BlockSpec((BN, 16), lambda i: (i, 0)),
            pl.BlockSpec((1, CP), lambda i: (0, 0)),
            pl.BlockSpec((1, CP), lambda i: (0, 0)),
        ],
        out_shape=[
            jax.ShapeDtypeStruct((nt, 16), jnp.float32),
            jax.ShapeDtypeStruct((1, CP), jnp.float32),
            jax.ShapeDtypeStruct((1, CP), jnp.float32),
        ],
    )(target_scores.reshape(nt, c), output_scores.reshape(nt, c),
      output_deltas.reshape(nt, 4 * c), target_deltas.reshape(nt, 4 * c))

    npad = NW * PER_W
    gd_pad = jnp.pad(gd_p, ((0, npad - nt), (0, 0)))

    partials = _make_sc_kernel()(gd_pad, counts)

    out = pl.pallas_call(
        functools.partial(_final_body, float(nt)),
        out_shape=jax.ShapeDtypeStruct((1, 1), jnp.float32),
    )(counts, lsum, partials)
    return out[0, 0]

# --- scband reference (transcript-rebuilt; emitter-appended) ---
"""Pipeline reference for scband-rcnn-24575802867991 (READ-ONLY COPY).

The authoritative reference and input builder live on the scoring server;
editing this copy changes nothing except your own understanding.
"""

import jax, jax.numpy as jnp
import numpy as np

B = 1
N = 16000
C = 81
EPS = 1e-7


def setup_inputs(seed: int = 0):
    key = jax.random.key(seed)
    k1, k2, k3, k4 = jax.random.split(key, 4)
    target_deltas = jax.random.normal(k1, (B, N, 4 * C), dtype=jnp.float32)
    labels = jax.random.randint(k2, (B, N), 0, C)
    target_scores = jax.nn.one_hot(labels, C, dtype=jnp.float32)
    output_deltas = jax.random.normal(k3, (B, N, 4 * C), dtype=jnp.float32)
    output_scores = jax.random.uniform(k4, (B, N, C), dtype=jnp.float32, minval=1e-3, maxval=1.0)
    return {"target_deltas": target_deltas, "target_scores": target_scores, "output_deltas": output_deltas, "output_scores": output_scores}


def _softmax_classification(output, target, weights):
    # keras_rcnn.backend.softmax_classification with anchored=True
    classes = output.shape[-1]
    output = output.reshape(-1, classes)
    target = target.reshape(-1, classes)
    weights = weights.reshape(-1)
    output = output / jnp.sum(output, axis=-1, keepdims=True)
    output = jnp.clip(output, EPS, 1.0 - EPS)
    loss = -jnp.sum(target * jnp.log(output), axis=-1)
    return loss * weights


def _smooth_l1(output, target):
    diff = jnp.abs(output - target)
    return jnp.where(diff < 1.0, 0.5 * jnp.square(diff), diff - 0.5)


def _classification_loss(output_scores, target_scores):
    w = jnp.sum(target_scores, axis=1)                       # [B, C]
    w = jnp.sum(target_scores) / jnp.maximum(w, EPS)          # [B, C]
    w = 1.0 / (1.0 + jnp.exp(-w))                             # sigmoid
    w_anchor = jnp.sum(target_scores * w, axis=-1)            # [B, N] (B==1 broadcast as in keras)
    loss = _softmax_classification(output_scores, target_scores, w_anchor)
    return jnp.mean(loss)


def _regression_loss(output_deltas, target_deltas, target_scores):
    od = output_deltas[:, :, 4:]                              # drop background deltas
    td = target_deltas[:, :, 4:]
    ts = target_scores[:, :, 1:]                              # drop background class
    w = jnp.sum(ts, axis=1)                                   # [B, C-1]
    w = jnp.sum(ts) / jnp.maximum(w, EPS)
    w = 1.0 / (1.0 + jnp.exp(-w))
    w_anchor = jnp.sum(ts * w, axis=-1)                       # [B, N]
    # Dense equivalent of where(ts==1) -> gather_nd -> tile -> scatter_add_tensor:
    # labels[b, n, 4*c + j] = (ts[b, n, c] == 1) * w_anchor[b, n]
    mask = (ts == 1.0).astype(jnp.float32)                    # [B, N, C-1]
    labels = jnp.repeat(mask, 4, axis=-1) * w_anchor[:, :, None]
    loss = _smooth_l1(od * labels, td * labels)
    return jnp.sum(loss) / jnp.maximum(EPS, jnp.sum(ts))


def reference(target_deltas, target_scores, output_deltas, output_scores):
    # Shapes of targets and outputs match, so tf.cond takes the `backward`
    # branch: loss = classification_loss + regression_loss (added via add_loss).
    return _classification_loss(output_scores, target_scores) + _regression_loss(output_deltas, target_deltas, target_scores)

if __name__ == "__main__":
    import jax
    _d = setup_inputs()
    print(jax.jit(kernel)(*tuple(_d.values())))

</pallas_src>

<mosaic_0001>
#map = affine_map<(d0, d1) -> (0, 0)>
module attributes {stable_mosaic.version = 14 : i64} {
  func.func @sc_kernel(%arg0: i32, %arg1: i32, %arg2: memref<16384x16xf32, #tpu.memory_space<hbm>>, %arg3: memref<1x128xf32, #tpu.memory_space<hbm>>, %arg4: memref<32x16xf32, #tpu.memory_space<hbm>>, %arg5: memref<512x16xf32, #tpu.memory_space<vmem>>, %arg6: memref<1x128xf32, #tpu.memory_space<vmem>>, %arg7: memref<128xf32, #tpu.memory_space<vmem>>, %arg8: memref<512xf32, #tpu.memory_space<vmem>>, %arg9: memref<16xf32, #tpu.memory_space<vmem>>) attributes {dimension_semantics = [#tpu.dimension_semantics<core_parallel>, #tpu.dimension_semantics<subcore_parallel>], iteration_bounds = array<i64: 2, 16>, scalar_prefetch = 0 : i64, scratch_operands = 5 : i64, tpu.core_type = #tpu.core_type<sc_vector_subcore>, window_params = [{transform_indices = #map}, {transform_indices = #map}, {transform_indices = #map}]} {
    %mul3A = arith.constant 16 : i32
    %mul3A_0 = arith.muli %arg0, %mul3A : i32
    %add3A = arith.addi %mul3A_0, %arg1 : i32
    %mul3A_1 = arith.constant 512 : i32
    %mul3A_2 = arith.muli %add3A, %mul3A_1 : i32
    "tpu.region"() ({
      %run_scoped3A = tpu.sem_alloc : memref<!tpu.dma_semaphore, #tpu.memory_space<semaphore_mem>>
      %dma_start3A = arith.constant 0 : i32
      %dma_start3A_481 = tpu.memref_slice %arg2[%mul3A_2, %dma_start3A] : memref<16384x16xf32, #tpu.memory_space<hbm>> -> memref<512x16xf32, #tpu.memory_space<hbm>>
      %dma_start3A_482 = arith.constant 0 : i32
      %dma_start3A_483 = tpu.memref_slice %arg2[%mul3A_2, %dma_start3A_482] : memref<16384x16xf32, #tpu.memory_space<hbm>> -> memref<512x16xf32, #tpu.memory_space<hbm>>
      tpu.enqueue_dma source(%dma_start3A_483 : memref<512x16xf32, #tpu.memory_space<hbm>>) target(%arg5 : memref<512x16xf32, #tpu.memory_space<vmem>>) target_semaphore(%run_scoped3A : memref<!tpu.dma_semaphore, #tpu.memory_space<semaphore_mem>>)
      %dma_wait3A = arith.constant 0 : i32
      %dma_wait3A_484 = tpu.memref_slice %arg2[%mul3A_2, %dma_wait3A] : memref<16384x16xf32, #tpu.memory_space<hbm>> -> memref<512x16xf32, #tpu.memory_space<hbm>>
      %dma_wait3A_485 = arith.constant 0 : i32
      %dma_wait3A_486 = tpu.memref_slice %arg2[%mul3A_2, %dma_wait3A_485] : memref<16384x16xf32, #tpu.memory_space<hbm>> -> memref<512x16xf32, #tpu.memory_space<hbm>>
      tpu.wait_dma2 semaphore(%run_scoped3A : memref<!tpu.dma_semaphore, #tpu.memory_space<semaphore_mem>>) src(%dma_wait3A_486 : memref<512x16xf32, #tpu.memory_space<hbm>>) dst(%arg5 : memref<512x16xf32, #tpu.memory_space<vmem>>)
      tpu.yield
    }) : () -> ()
    "tpu.region"() ({
      %run_scoped3A = tpu.sem_alloc : memref<!tpu.dma_semaphore, #tpu.memory_space<semaphore_mem>>
      tpu.enqueue_dma source(%arg3 : memref<1x128xf32, #tpu.memory_space<hbm>>) target(%arg6 : memref<1x128xf32, #tpu.memory_space<vmem>>) target_semaphore(%run_scoped3A : memref<!tpu.dma_semaphore, #tpu.memory_space<semaphore_mem>>)
      tpu.wait_dma2 semaphore(%run_scoped3A : memref<!tpu.dma_semaphore, #tpu.memory_space<semaphore_mem>>) src(%arg3 : memref<1x128xf32, #tpu.memory_space<hbm>>) dst(%arg6 : memref<1x128xf32, #tpu.memory_space<vmem>>)
      tpu.yield
    }) : () -> ()
    %broadcast_in_dim3A = arith.constant 0.000000e+00 : f32
    %broadcast_in_dim3A_3 = vector.broadcast %broadcast_in_dim3A : f32 to vector<16xf32>
    %get3A = arith.constant 0 : i32
    %get3A_4 = arith.index_cast %get3A : i32 to index
    %get3A_5 = arith.constant 0 : index
    %get3A_6 = tpu.vector_load %arg6[%get3A_4, %get3A_5] {strides = array<i32>} : memref<1x128xf32, #tpu.memory_space<vmem>>, vector<16xf32>,
    %add3A_7 = arith.addf %broadcast_in_dim3A_3, %get3A_6 : vector<16xf32>
    %get3A_8 = arith.constant 0 : i32
    %get3A_9 = arith.index_cast %get3A_8 : i32 to index
    %get3A_10 = arith.constant 16 : index
    %get3A_11 = tpu.vector_load %arg6[%get3A_9, %get3A_10] {strides = array<i32>} : memref<1x128xf32, #tpu.memory_space<vmem>>, vector<16xf32>,
    %add3A_12 = arith.addf %add3A_7, %get3A_11 : vector<16xf32>
    %get3A_13 = arith.constant 0 : i32
    %get3A_14 = arith.index_cast %get3A_13 : i32 to index
    %get3A_15 = arith.constant 32 : index
    %get3A_16 = tpu.vector_load %arg6[%get3A_14, %get3A_15] {strides = array<i32>} : memref<1x128xf32, #tpu.memory_space<vmem>>, vector<16xf32>,
    %add3A_17 = arith.addf %add3A_12, %get3A_16 : vector<16xf32>
    %get3A_18 = arith.constant 0 : i32
    %get3A_19 = arith.index_cast %get3A_18 : i32 to index
    %get3A_20 = arith.constant 48 : index
    %get3A_21 = tpu.vector_load %arg6[%get3A_19, %get3A_20] {strides = array<i32>} : memref<1x128xf32, #tpu.memory_space<vmem>>, vector<16xf32>,
    %add3A_22 = arith.addf %add3A_17, %get3A_21 : vector<16xf32>
    %get3A_23 = arith.constant 0 : i32
    %get3A_24 = arith.index_cast %get3A_23 : i32 to index
    %get3A_25 = arith.constant 64 : index
    %get3A_26 = tpu.vector_load %arg6[%get3A_24, %get3A_25] {strides = array<i32>} : memref<1x128xf32, #tpu.memory_space<vmem>>, vector<16xf32>,
    %add3A_27 = arith.addf %add3A_22, %get3A_26 : vector<16xf32>
    %get3A_28 = arith.constant 0 : i32
    %get3A_29 = arith.index_cast %get3A_28 : i32 to index
    %get3A_30 = arith.constant 80 : index
    %get3A_31 = tpu.vector_load %arg6[%get3A_29, %get3A_30] {strides = array<i32>} : memref<1x128xf32, #tpu.memory_space<vmem>>, vector<16xf32>,
    %add3A_32 = arith.addf %add3A_27, %get3A_31 : vector<16xf32>
    %get3A_33 = arith.constant 0 : i32
    %get3A_34 = arith.index_cast %get3A_33 : i32 to index
    %get3A_35 = arith.constant 96 : index
    %get3A_36 = tpu.vector_load %arg6[%get3A_34, %get3A_35] {strides = array<i32>} : memref<1x128xf32, #tpu.memory_space<vmem>>, vector<16xf32>,
    %add3A_37 = arith.addf %add3A_32, %get3A_36 : vector<16xf32>
    %get3A_38 = arith.constant 0 : i32
    %get3A_39 = arith.index_cast %get3A_38 : i32 to index
    %get3A_40 = arith.constant 112 : index
    %get3A_41 = tpu.vector_load %arg6[%get3A_39, %get3A_40] {strides = array<i32>} : memref<1x128xf32, #tpu.memory_space<vmem>>, vector<16xf32>,
    %add3A_42 = arith.addf %add3A_37, %get3A_41 : vector<16xf32>
    %reduce_sum3A = arith.constant true
    %reduce_sum3A_43 = vector.broadcast %reduce_sum3A : i1 to vector<16xi1>
    %reduce_sum3A_44 = tpu.scan <sum>, %add3A_42 masked %reduce_sum3A_43 : vector<16xf32>, vector<16xi1> -> vector<16xf32>
    %reduce_sum3A_45 = vector.extract %reduce_sum3A_44[15] : f32 from vector<16xf32>
    %get3A_46 = arith.constant 0 : i32
    %get3A_47 = arith.index_cast %get3A_46 : i32 to index
    %get3A_48 = arith.constant 0 : index
    %get3A_49 = tpu.vector_load %arg6[%get3A_47, %get3A_48] {strides = array<i32>} : memref<1x128xf32, #tpu.memory_space<vmem>>, vector<16xf32>,
    %slice3A = vector.extract_strided_slice %get3A_49 {offsets = [0], sizes = [1], strides = [1]} : vector<16xf32> to vector<1xf32>
    %squeeze3A = vector.extract %slice3A[0] : f32 from vector<1xf32>
    %sub3A = arith.subf %reduce_sum3A_45, %squeeze3A : f32
    %iota3A = tpu.iota {dimensions = array<i32: 0>} : vector<16xi32>
    %get3A_50 = arith.constant 0 : i32
    %get3A_51 = arith.index_cast %get3A_50 : i32 to index
    %get3A_52 = arith.constant 0 : index
    %get3A_53 = tpu.vector_load %arg6[%get3A_51, %get3A_52] {strides = array<i32>} : memref<1x128xf32, #tpu.memory_space<vmem>>, vector<16xf32>,
    %max3A = arith.constant 1.000000e-07 : f32
    %max3A_54 = vector.broadcast %max3A : f32 to vector<16xf32>
    %max3A_55 = arith.maximumf %get3A_53, %max3A_54 : vector<16xf32>
    %div3A = vector.broadcast %sub3A : f32 to vector<16xf32>
    %div3A_56 = arith.divf %div3A, %max3A_55 : vector<16xf32>
    %neg3A = arith.constant 0.000000e+00 : f32
    %neg3A_57 = vector.broadcast %neg3A : f32 to vector<16xf32>
    %neg3A_58 = arith.subf %neg3A_57, %div3A_56 : vector<16xf32>
    %exp3A = math.exp %neg3A_58 : vector<16xf32>
    %add3A_59 = arith.constant 1.000000e+00 : f32
    %add3A_60 = vector.broadcast %add3A_59 : f32 to vector<16xf32>
    %add3A_61 = arith.addf %add3A_60, %exp3A : vector<16xf32>
    %div3A_62 = arith.constant 1.000000e+00 : f32
    %div3A_63 = vector.broadcast %div3A_62 : f32 to vector<16xf32>
    %div3A_64 = arith.divf %div3A_63, %add3A_61 : vector<16xf32>
    %eq3A = arith.constant 0 : i32
    %eq3A_65 = vector.broadcast %eq3A : i32 to vector<16xi32>
    %eq3A_66 = arith.cmpi eq, %iota3A, %eq3A_65 : vector<16xi32>
    %jit3A = arith.constant 0.000000e+00 : f32
    %broadcast_in_dim3A_67 = vector.broadcast %jit3A : f32 to vector<16xf32>
    %select_n3A = arith.select %eq3A_66, %broadcast_in_dim3A_67, %div3A_64 : vector<16xi1>, vector<16xf32>
    %swap3A = arith.constant 0 : index
    %swap3A_68 = tpu.vector_load %arg7[%swap3A] {strides = array<i32>} : memref<128xf32, #tpu.memory_space<vmem>>, vector<16xf32>,
    tpu.vector_store %arg7[%swap3A], %select_n3A {strides = array<i32>} : memref<128xf32, #tpu.memory_space<vmem>>, vector<16xf32>,
    %get3A_69 = arith.constant 0 : i32
    %get3A_70 = arith.index_cast %get3A_69 : i32 to index
    %get3A_71 = arith.constant 16 : index
    %get3A_72 = tpu.vector_load %arg6[%get3A_70, %get3A_71] {strides = array<i32>} : memref<1x128xf32, #tpu.memory_space<vmem>>, vector<16xf32>,
    %max3A_73 = arith.constant 1.000000e-07 : f32
    %max3A_74 = vector.broadcast %max3A_73 : f32 to vector<16xf32>
    %max3A_75 = arith.maximumf %get3A_72, %max3A_74 : vector<16xf32>
    %div3A_76 = vector.broadcast %sub3A : f32 to vector<16xf32>
    %div3A_77 = arith.divf %div3A_76, %max3A_75 : vector<16xf32>
    %neg3A_78 = arith.constant 0.000000e+00 : f32
    %neg3A_79 = vector.broadcast %neg3A_78 : f32 to vector<16xf32>
    %neg3A_80 = arith.subf %neg3A_79, %div3A_77 : vector<16xf32>
    %exp3A_81 = math.exp %neg3A_80 : vector<16xf32>
    %add3A_82 = arith.constant 1.000000e+00 : f32
    %add3A_83 = vector.broadcast %add3A_82 : f32 to vector<16xf32>
    %add3A_84 = arith.addf %add3A_83, %exp3A_81 : vector<16xf32>
    %div3A_85 = arith.constant 1.000000e+00 : f32
    %div3A_86 = vector.broadcast %div3A_85 : f32 to vector<16xf32>
    %div3A_87 = arith.divf %div3A_86, %add3A_84 : vector<16xf32>
    %swap3A_88 = arith.constant 16 : index
    %swap3A_89 = tpu.vector_load %arg7[%swap3A_88] {strides = array<i32>} : memref<128xf32, #tpu.memory_space<vmem>>, vector<16xf32>,
    tpu.vector_store %arg7[%swap3A_88], %div3A_87 {strides = array<i32>} : memref<128xf32, #tpu.memory_space<vmem>>, vector<16xf32>,
    %get3A_90 = arith.constant 0 : i32
    %get3A_91 = arith.index_cast %get3A_90 : i32 to index
    %get3A_92 = arith.constant 32 : index
    %get3A_93 = tpu.vector_load %arg6[%get3A_91, %get3A_92] {strides = array<i32>} : memref<1x128xf32, #tpu.memory_space<vmem>>, vector<16xf32>,
    %max3A_94 = arith.constant 1.000000e-07 : f32
    %max3A_95 = vector.broadcast %max3A_94 : f32 to vector<16xf32>
    %max3A_96 = arith.maximumf %get3A_93, %max3A_95 : vector<16xf32>
    %div3A_97 = vector.broadcast %sub3A : f32 to vector<16xf32>
    %div3A_98 = arith.divf %div3A_97, %max3A_96 : vector<16xf32>
    %neg3A_99 = arith.constant 0.000000e+00 : f32
    %neg3A_100 = vector.broadcast %neg3A_99 : f32 to vector<16xf32>
    %neg3A_101 = arith.subf %neg3A_100, %div3A_98 : vector<16xf32>
    %exp3A_102 = math.exp %neg3A_101 : vector<16xf32>
    %add3A_103 = arith.constant 1.000000e+00 : f32
    %add3A_104 = vector.broadcast %add3A_103 : f32 to vector<16xf32>
    %add3A_105 = arith.addf %add3A_104, %exp3A_102 : vector<16xf32>
    %div3A_106 = arith.constant 1.000000e+00 : f32
    %div3A_107 = vector.broadcast %div3A_106 : f32 to vector<16xf32>
    %div3A_108 = arith.divf %div3A_107, %add3A_105 : vector<16xf32>
    %swap3A_109 = arith.constant 32 : index
    %swap3A_110 = tpu.vector_load %arg7[%swap3A_109] {strides = array<i32>} : memref<128xf32, #tpu.memory_space<vmem>>, vector<16xf32>,
    tpu.vector_store %arg7[%swap3A_109], %div3A_108 {strides = array<i32>} : memref<128xf32, #tpu.memory_space<vmem>>, vector<16xf32>,
    %get3A_111 = arith.constant 0 : i32
    %get3A_112 = arith.index_cast %get3A_111 : i32 to index
    %get3A_113 = arith.constant 48 : index
    %get3A_114 = tpu.vector_load %arg6[%get3A_112, %get3A_113] {strides = array<i32>} : memref<1x128xf32, #tpu.memory_space<vmem>>, vector<16xf32>,
    %max3A_115 = arith.constant 1.000000e-07 : f32
    %max3A_116 = vector.broadcast %max3A_115 : f32 to vector<16xf32>
    %max3A_117 = arith.maximumf %get3A_114, %max3A_116 : vector<16xf32>
    %div3A_118 = vector.broadcast %sub3A : f32 to vector<16xf32>
    %div3A_119 = arith.divf %div3A_118, %max3A_117 : vector<16xf32>
    %neg3A_120 = arith.constant 0.000000e+00 : f32
    %neg3A_121 = vector.broadcast %neg3A_120 : f32 to vector<16xf32>
    %neg3A_122 = arith.subf %neg3A_121, %div3A_119 : vector<16xf32>
    %exp3A_123 = math.exp %neg3A_122 : vector<16xf32>
    %add3A_124 = arith.constant 1.000000e+00 : f32
    %add3A_125 = vector.broadcast %add3A_124 : f32 to vector<16xf32>
    %add3A_126 = arith.addf %add3A_125, %exp3A_123 : vector<16xf32>
    %div3A_127 = arith.constant 1.000000e+00 : f32
    %div3A_128 = vector.broadcast %div3A_127 : f32 to vector<16xf32>
    %div3A_129 = arith.divf %div3A_128, %add3A_126 : vector<16xf32>
    %swap3A_130 = arith.constant 48 : index
    %swap3A_131 = tpu.vector_load %arg7[%swap3A_130] {strides = array<i32>} : memref<128xf32, #tpu.memory_space<vmem>>, vector<16xf32>,
    tpu.vector_store %arg7[%swap3A_130], %div3A_129 {strides = array<i32>} : memref<128xf32, #tpu.memory_space<vmem>>, vector<16xf32>,
    %get3A_132 = arith.constant 0 : i32
    %get3A_133 = arith.index_cast %get3A_132 : i32 to index
    %get3A_134 = arith.constant 64 : index
    %get3A_135 = tpu.vector_load %arg6[%get3A_133, %get3A_134] {strides = array<i32>} : memref<1x128xf32, #tpu.memory_space<vmem>>, vector<16xf32>,
    %max3A_136 = arith.constant 1.000000e-07 : f32
    %max3A_137 = vector.broadcast %max3A_136 : f32 to vector<16xf32>
    %max3A_138 = arith.maximumf %get3A_135, %max3A_137 : vector<16xf32>
    %div3A_139 = vector.broadcast %sub3A : f32 to vector<16xf32>
    %div3A_140 = arith.divf %div3A_139, %max3A_138 : vector<16xf32>
    %neg3A_141 = arith.constant 0.000000e+00 : f32
    %neg3A_142 = vector.broadcast %neg3A_141 : f32 to vector<16xf32>
    %neg3A_143 = arith.subf %neg3A_142, %div3A_140 : vector<16xf32>
    %exp3A_144 = math.exp %neg3A_143 : vector<16xf32>
    %add3A_145 = arith.constant 1.000000e+00 : f32
    %add3A_146 = vector.broadcast %add3A_145 : f32 to vector<16xf32>
    %add3A_147 = arith.addf %add3A_146, %exp3A_144 : vector<16xf32>
    %div3A_148 = arith.constant 1.000000e+00 : f32
    %div3A_149 = vector.broadcast %div3A_148 : f32 to vector<16xf32>
    %div3A_150 = arith.divf %div3A_149, %add3A_147 : vector<16xf32>
    %swap3A_151 = arith.constant 64 : index
    %swap3A_152 = tpu.vector_load %arg7[%swap3A_151] {strides = array<i32>} : memref<128xf32, #tpu.memory_space<vmem>>, vector<16xf32>,
    tpu.vector_store %arg7[%swap3A_151], %div3A_150 {strides = array<i32>} : memref<128xf32, #tpu.memory_space<vmem>>, vector<16xf32>,
    %get3A_153 = arith.constant 0 : i32
    %get3A_154 = arith.index_cast %get3A_153 : i32 to index
    %get3A_155 = arith.constant 80 : index
    %get3A_156 = tpu.vector_load %arg6[%get3A_154, %get3A_155] {strides = array<i32>} : memref<1x128xf32, #tpu.memory_space<vmem>>, vector<16xf32>,
    %max3A_157 = arith.constant 1.000000e-07 : f32
    %max3A_158 = vector.broadcast %max3A_157 : f32 to vector<16xf32>
    %max3A_159 = arith.maximumf %get3A_156, %max3A_158 : vector<16xf32>
    %div3A_160 = vector.broadcast %sub3A : f32 to vector<16xf32>
    %div3A_161 = arith.divf %div3A_160, %max3A_159 : vector<16xf32>
    %neg3A_162 = arith.constant 0.000000e+00 : f32
    %neg3A_163 = vector.broadcast %neg3A_162 : f32 to vector<16xf32>
    %neg3A_164 = arith.subf %neg3A_163, %div3A_161 : vector<16xf32>
    %exp3A_165 = math.exp %neg3A_164 : vector<16xf32>
    %add3A_166 = arith.constant 1.000000e+00 : f32
    %add3A_167 = vector.broadcast %add3A_166 : f32 to vector<16xf32>
    %add3A_168 = arith.addf %add3A_167, %exp3A_165 : vector<16xf32>
    %div3A_169 = arith.constant 1.000000e+00 : f32
    %div3A_170 = vector.broadcast %div3A_169 : f32 to vector<16xf32>
    %div3A_171 = arith.divf %div3A_170, %add3A_168 : vector<16xf32>
    %swap3A_172 = arith.constant 80 : index
    %swap3A_173 = tpu.vector_load %arg7[%swap3A_172] {strides = array<i32>} : memref<128xf32, #tpu.memory_space<vmem>>, vector<16xf32>,
    tpu.vector_store %arg7[%swap3A_172], %div3A_171 {strides = array<i32>} : memref<128xf32, #tpu.memory_space<vmem>>, vector<16xf32>,
    %get3A_174 = arith.constant 0 : i32
    %get3A_175 = arith.index_cast %get3A_174 : i32 to index
    %get3A_176 = arith.constant 96 : index
    %get3A_177 = tpu.vector_load %arg6[%get3A_175, %get3A_176] {strides = array<i32>} : memref<1x128xf32, #tpu.memory_space<vmem>>, vector<16xf32>,
    %max3A_178 = arith.constant 1.000000e-07 : f32
    %max3A_179 = vector.broadcast %max3A_178 : f32 to vector<16xf32>
    %max3A_180 = arith.maximumf %get3A_177, %max3A_179 : vector<16xf32>
    %div3A_181 = vector.broadcast %sub3A : f32 to vector<16xf32>
    %div3A_182 = arith.divf %div3A_181, %max3A_180 : vector<16xf32>
    %neg3A_183 = arith.constant 0.000000e+00 : f32
    %neg3A_184 = vector.broadcast %neg3A_183 : f32 to vector<16xf32>
    %neg3A_185 = arith.subf %neg3A_184, %div3A_182 : vector<16xf32>
    %exp3A_186 = math.exp %neg3A_185 : vector<16xf32>
    %add3A_187 = arith.constant 1.000000e+00 : f32
    %add3A_188 = vector.broadcast %add3A_187 : f32 to vector<16xf32>
    %add3A_189 = arith.addf %add3A_188, %exp3A_186 : vector<16xf32>
    %div3A_190 = arith.constant 1.000000e+00 : f32
    %div3A_191 = vector.broadcast %div3A_190 : f32 to vector<16xf32>
    %div3A_192 = arith.divf %div3A_191, %add3A_189 : vector<16xf32>
    %swap3A_193 = arith.constant 96 : index
    %swap3A_194 = tpu.vector_load %arg7[%swap3A_193] {strides = array<i32>} : memref<128xf32, #tpu.memory_space<vmem>>, vector<16xf32>,
    tpu.vector_store %arg7[%swap3A_193], %div3A_192 {strides = array<i32>} : memref<128xf32, #tpu.memory_space<vmem>>, vector<16xf32>,
    %get3A_195 = arith.constant 0 : i32
    %get3A_196 = arith.index_cast %get3A_195 : i32 to index
    %get3A_197 = arith.constant 112 : index
    %get3A_198 = tpu.vector_load %arg6[%get3A_196, %get3A_197] {strides = array<i32>} : memref<1x128xf32, #tpu.memory_space<vmem>>, vector<16xf32>,
    %max3A_199 = arith.constant 1.000000e-07 : f32
    %max3A_200 = vector.broadcast %max3A_199 : f32 to vector<16xf32>
    %max3A_201 = arith.maximumf %get3A_198, %max3A_200 : vector<16xf32>
    %div3A_202 = vector.broadcast %sub3A : f32 to vector<16xf32>
    %div3A_203 = arith.divf %div3A_202, %max3A_201 : vector<16xf32>
    %neg3A_204 = arith.constant 0.000000e+00 : f32
    %neg3A_205 = vector.broadcast %neg3A_204 : f32 to vector<16xf32>
    %neg3A_206 = arith.subf %neg3A_205, %div3A_203 : vector<16xf32>
    %exp3A_207 = math.exp %neg3A_206 : vector<16xf32>
    %add3A_208 = arith.constant 1.000000e+00 : f32
    %add3A_209 = vector.broadcast %add3A_208 : f32 to vector<16xf32>
    %add3A_210 = arith.addf %add3A_209, %exp3A_207 : vector<16xf32>
    %div3A_211 = arith.constant 1.000000e+00 : f32
    %div3A_212 = vector.broadcast %div3A_211 : f32 to vector<16xf32>
    %div3A_213 = arith.divf %div3A_212, %add3A_210 : vector<16xf32>
    %swap3A_214 = arith.constant 112 : index
    %swap3A_215 = tpu.vector_load %arg7[%swap3A_214] {strides = array<i32>} : memref<128xf32, #tpu.memory_space<vmem>>, vector<16xf32>,
    tpu.vector_store %arg7[%swap3A_214], %div3A_213 {strides = array<i32>} : memref<128xf32, #tpu.memory_space<vmem>>, vector<16xf32>,
    %broadcast_in_dim3A_216 = arith.constant 8 : i32
    %broadcast_in_dim3A_217 = vector.broadcast %broadcast_in_dim3A_216 : i32 to vector<16xi32>
    %add3A_218 = arith.constant 0 : i32
    %add3A_219 = vector.broadcast %add3A_218 : i32 to vector<16xi32>
    %add3A_220 = arith.addi %add3A_219, %iota3A : vector<16xi32>
    %gather3A = tpu.vector_load_idx %arg5[%add3A_220, %broadcast_in_dim3A_217] : memref<512x16xf32, #tpu.memory_space<vmem>>[vector<16xi32>, vector<16xi32>], vector<16xf32>,
    %convert_element_type3A = arith.fptosi %gather3A : vector<16xf32> to vector<16xi32>
    %gather3A_221 = tpu.vector_load_idx %arg7[%convert_element_type3A] : memref<128xf32, #tpu.memory_space<vmem>>[vector<16xi32>], vector<16xf32>,
    %swap3A_222 = arith.constant 0 : index
    %swap3A_223 = tpu.vector_load %arg8[%swap3A_222] {strides = array<i32>} : memref<512xf32, #tpu.memory_space<vmem>>, vector<16xf32>,
    tpu.vector_store %arg8[%swap3A_222], %gather3A_221 {strides = array<i32>} : memref<512xf32, #tpu.memory_space<vmem>>, vector<16xf32>,
    %add3A_224 = arith.constant 16 : i32
    %add3A_225 = vector.broadcast %add3A_224 : i32 to vector<16xi32>
    %add3A_226 = arith.addi %add3A_225, %iota3A : vector<16xi32>
    %gather3A_227 = tpu.vector_load_idx %arg5[%add3A_226, %broadcast_in_dim3A_217] : memref<512x16xf32, #tpu.memory_space<vmem>>[vector<16xi32>, vector<16xi32>], vector<16xf32>,
    %convert_element_type3A_228 = arith.fptosi %gather3A_227 : vector<16xf32> to vector<16xi32>
    %gather3A_229 = tpu.vector_load_idx %arg7[%convert_element_type3A_228] : memref<128xf32, #tpu.memory_space<vmem>>[vector<16xi32>], vector<16xf32>,
    %swap3A_230 = arith.constant 16 : index
    %swap3A_231 = tpu.vector_load %arg8[%swap3A_230] {strides = array<i32>} : memref<512xf32, #tpu.memory_space<vmem>>, vector<16xf32>,
    tpu.vector_store %arg8[%swap3A_230], %gather3A_229 {strides = array<i32>} : memref<512xf32, #tpu.memory_space<vmem>>, vector<16xf32>,
    %add3A_232 = arith.constant 32 : i32
    %add3A_233 = vector.broadcast %add3A_232 : i32 to vector<16xi32>
    %add3A_234 = arith.addi %add3A_233, %iota3A : vector<16xi32>
    %gather3A_235 = tpu.vector_load_idx %arg5[%add3A_234, %broadcast_in_dim3A_217] : memref<512x16xf32, #tpu.memory_space<vmem>>[vector<16xi32>, vector<16xi32>], vector<16xf32>,
    %convert_element_type3A_236 = arith.fptosi %gather3A_235 : vector<16xf32> to vector<16xi32>
    %gather3A_237 = tpu.vector_load_idx %arg7[%convert_element_type3A_236] : memref<128xf32, #tpu.memory_space<vmem>>[vector<16xi32>], vector<16xf32>,
    %swap3A_238 = arith.constant 32 : index
    %swap3A_239 = tpu.vector_load %arg8[%swap3A_238] {strides = array<i32>} : memref<512xf32, #tpu.memory_space<vmem>>, vector<16xf32>,
    tpu.vector_store %arg8[%swap3A_238], %gather3A_237 {strides = array<i32>} : memref<512xf32, #tpu.memory_space<vmem>>, vector<16xf32>,
    %add3A_240 = arith.constant 48 : i32
    %add3A_241 = vector.broadcast %add3A_240 : i32 to vector<16xi32>
    %add3A_242 = arith.addi %add3A_241, %iota3A : vector<16xi32>
    %gather3A_243 = tpu.vector_load_idx %arg5[%add3A_242, %broadcast_in_dim3A_217] : memref<512x16xf32, #tpu.memory_space<vmem>>[vector<16xi32>, vector<16xi32>], vector<16xf32>,
    %convert_element_type3A_244 = arith.fptosi %gather3A_243 : vector<16xf32> to vector<16xi32>
    %gather3A_245 = tpu.vector_load_idx %arg7[%convert_element_type3A_244] : memref<128xf32, #tpu.memory_space<vmem>>[vector<16xi32>], vector<16xf32>,
    %swap3A_246 = arith.constant 48 : index
    %swap3A_247 = tpu.vector_load %arg8[%swap3A_246] {strides = array<i32>} : memref<512xf32, #tpu.memory_space<vmem>>, vector<16xf32>,
    tpu.vector_store %arg8[%swap3A_246], %gather3A_245 {strides = array<i32>} : memref<512xf32, #tpu.memory_space<vmem>>, vector<16xf32>,
    %add3A_248 = arith.constant 64 : i32
    %add3A_249 = vector.broadcast %add3A_248 : i32 to vector<16xi32>
    %add3A_250 = arith.addi %add3A_249, %iota3A : vector<16xi32>
    %gather3A_251 = tpu.vector_load_idx %arg5[%add3A_250, %broadcast_in_dim3A_217] : memref<512x16xf32, #tpu.memory_space<vmem>>[vector<16xi32>, vector<16xi32>], vector<16xf32>,
    %convert_element_type3A_252 = arith.fptosi %gather3A_251 : vector<16xf32> to vector<16xi32>
    %gather3A_253 = tpu.vector_load_idx %arg7[%convert_element_type3A_252] : memref<128xf32, #tpu.memory_space<vmem>>[vector<16xi32>], vector<16xf32>,
    %swap3A_254 = arith.constant 64 : index
    %swap3A_255 = tpu.vector_load %arg8[%swap3A_254] {strides = array<i32>} : memref<512xf32, #tpu.memory_space<vmem>>, vector<16xf32>,
    tpu.vector_store %arg8[%swap3A_254], %gather3A_253 {strides = array<i32>} : memref<512xf32, #tpu.memory_space<vmem>>, vector<16xf32>,
    %add3A_256 = arith.constant 80 : i32
    %add3A_257 = vector.broadcast %add3A_256 : i32 to vector<16xi32>
    %add3A_258 = arith.addi %add3A_257, %iota3A : vector<16xi32>
    %gather3A_259 = tpu.vector_load_idx %arg5[%add3A_258, %broadcast_in_dim3A_217] : memref<512x16xf32, #tpu.memory_space<vmem>>[vector<16xi32>, vector<16xi32>], vector<16xf32>,
    %convert_element_type3A_260 = arith.fptosi %gather3A_259 : vector<16xf32> to vector<16xi32>
    %gather3A_261 = tpu.vector_load_idx %arg7[%convert_element_type3A_260] : memref<128xf32, #tpu.memory_space<vmem>>[vector<16xi32>], vector<16xf32>,
    %swap3A_262 = arith.constant 80 : index
    %swap3A_263 = tpu.vector_load %arg8[%swap3A_262] {strides = array<i32>} : memref<512xf32, #tpu.memory_space<vmem>>, vector<16xf32>,
    tpu.vector_store %arg8[%swap3A_262], %gather3A_261 {strides = array<i32>} : memref<512xf32, #tpu.memory_space<vmem>>, vector<16xf32>,
    %add3A_264 = arith.constant 96 : i32
    %add3A_265 = vector.broadcast %add3A_264 : i32 to vector<16xi32>
    %add3A_266 = arith.addi %add3A_265, %iota3A : vector<16xi32>
    %gather3A_267 = tpu.vector_load_idx %arg5[%add3A_266, %broadcast_in_dim3A_217] : memref<512x16xf32, #tpu.memory_space<vmem>>[vector<16xi32>, vector<16xi32>], vector<16xf32>,
    %convert_element_type3A_268 = arith.fptosi %gather3A_267 : vector<16xf32> to vector<16xi32>
    %gather3A_269 = tpu.vector_load_idx %arg7[%convert_element_type3A_268] : memref<128xf32, #tpu.memory_space<vmem>>[vector<16xi32>], vector<16xf32>,
    %swap3A_270 = arith.constant 96 : index
    %swap3A_271 = tpu.vector_load %arg8[%swap3A_270] {strides = array<i32>} : memref<512xf32, #tpu.memory_space<vmem>>, vector<16xf32>,
    tpu.vector_store %arg8[%swap3A_270], %gather3A_269 {strides = array<i32>} : memref<512xf32, #tpu.memory_space<vmem>>, vector<16xf32>,
    %add3A_272 = arith.constant 112 : i32
    %add3A_273 = vector.broadcast %add3A_272 : i32 to vector<16xi32>
    %add3A_274 = arith.addi %add3A_273, %iota3A : vector<16xi32>
    %gather3A_275 = tpu.vector_load_idx %arg5[%add3A_274, %broadcast_in_dim3A_217] : memref<512x16xf32, #tpu.memory_space<vmem>>[vector<16xi32>, vector<16xi32>], vector<16xf32>,
    %convert_element_type3A_276 = arith.fptosi %gather3A_275 : vector<16xf32> to vector<16xi32>
    %gather3A_277 = tpu.vector_load_idx %arg7[%convert_element_type3A_276] : memref<128xf32, #tpu.memory_space<vmem>>[vector<16xi32>], vector<16xf32>,
    %swap3A_278 = arith.constant 112 : index
    %swap3A_279 = tpu.vector_load %arg8[%swap3A_278] {strides = array<i32>} : memref<512xf32, #tpu.memory_space<vmem>>, vector<16xf32>,
    tpu.vector_store %arg8[%swap3A_278], %gather3A_277 {strides = array<i32>} : memref<512xf32, #tpu.memory_space<vmem>>, vector<16xf32>,
    %add3A_280 = arith.constant 128 : i32
    %add3A_281 = vector.broadcast %add3A_280 : i32 to vector<16xi32>
    %add3A_282 = arith.addi %add3A_281, %iota3A : vector<16xi32>
    %gather3A_283 = tpu.vector_load_idx %arg5[%add3A_282, %broadcast_in_dim3A_217] : memref<512x16xf32, #tpu.memory_space<vmem>>[vector<16xi32>, vector<16xi32>], vector<16xf32>,
    %convert_element_type3A_284 = arith.fptosi %gather3A_283 : vector<16xf32> to vector<16xi32>
    %gather3A_285 = tpu.vector_load_idx %arg7[%convert_element_type3A_284] : memref<128xf32, #tpu.memory_space<vmem>>[vector<16xi32>], vector<16xf32>,
    %swap3A_286 = arith.constant 128 : index
    %swap3A_287 = tpu.vector_load %arg8[%swap3A_286] {strides = array<i32>} : memref<512xf32, #tpu.memory_space<vmem>>, vector<16xf32>,
    tpu.vector_store %arg8[%swap3A_286], %gather3A_285 {strides = array<i32>} : memref<512xf32, #tpu.memory_space<vmem>>, vector<16xf32>,
    %add3A_288 = arith.constant 144 : i32
    %add3A_289 = vector.broadcast %add3A_288 : i32 to vector<16xi32>
    %add3A_290 = arith.addi %add3A_289, %iota3A : vector<16xi32>
    %gather3A_291 = tpu.vector_load_idx %arg5[%add3A_290, %broadcast_in_dim3A_217] : memref<512x16xf32, #tpu.memory_space<vmem>>[vector<16xi32>, vector<16xi32>], vector<16xf32>,
    %convert_element_type3A_292 = arith.fptosi %gather3A_291 : vector<16xf32> to vector<16xi32>
    %gather3A_293 = tpu.vector_load_idx %arg7[%convert_element_type3A_292] : memref<128xf32, #tpu.memory_space<vmem>>[vector<16xi32>], vector<16xf32>,
    %swap3A_294 = arith.constant 144 : index
    %swap3A_295 = tpu.vector_load %arg8[%swap3A_294] {strides = array<i32>} : memref<512xf32, #tpu.memory_space<vmem>>, vector<16xf32>,
    tpu.vector_store %arg8[%swap3A_294], %gather3A_293 {strides = array<i32>} : memref<512xf32, #tpu.memory_space<vmem>>, vector<16xf32>,
    %add3A_296 = arith.constant 160 : i32
    %add3A_297 = vector.broadcast %add3A_296 : i32 to vector<16xi32>
    %add3A_298 = arith.addi %add3A_297, %iota3A : vector<16xi32>
    %gather3A_299 = tpu.vector_load_idx %arg5[%add3A_298, %broadcast_in_dim3A_217] : memref<512x16xf32, #tpu.memory_space<vmem>>[vector<16xi32>, vector<16xi32>], vector<16xf32>,
    %convert_element_type3A_300 = arith.fptosi %gather3A_299 : vector<16xf32> to vector<16xi32>
    %gather3A_301 = tpu.vector_load_idx %arg7[%convert_element_type3A_300] : memref<128xf32, #tpu.memory_space<vmem>>[vector<16xi32>], vector<16xf32>,
    %swap3A_302 = arith.constant 160 : index
    %swap3A_303 = tpu.vector_load %arg8[%swap3A_302] {strides = array<i32>} : memref<512xf32, #tpu.memory_space<vmem>>, vector<16xf32>,
    tpu.vector_store %arg8[%swap3A_302], %gather3A_301 {strides = array<i32>} : memref<512xf32, #tpu.memory_space<vmem>>, vector<16xf32>,
    %add3A_304 = arith.constant 176 : i32
    %add3A_305 = vector.broadcast %add3A_304 : i32 to vector<16xi32>
    %add3A_306 = arith.addi %add3A_305, %iota3A : vector<16xi32>
    %gather3A_307 = tpu.vector_load_idx %arg5[%add3A_306, %broadcast_in_dim3A_217] : memref<512x16xf32, #tpu.memory_space<vmem>>[vector<16xi32>, vector<16xi32>], vector<16xf32>,
    %convert_element_type3A_308 = arith.fptosi %gather3A_307 : vector<16xf32> to vector<16xi32>
    %gather3A_309 = tpu.vector_load_idx %arg7[%convert_element_type3A_308] : memref<128xf32, #tpu.memory_space<vmem>>[vector<16xi32>], vector<16xf32>,
    %swap3A_310 = arith.constant 176 : index
    %swap3A_311 = tpu.vector_load %arg8[%swap3A_310] {strides = array<i32>} : memref<512xf32, #tpu.memory_space<vmem>>, vector<16xf32>,
    tpu.vector_store %arg8[%swap3A_310], %gather3A_309 {strides = array<i32>} : memref<512xf32, #tpu.memory_space<vmem>>, vector<16xf32>,
    %add3A_312 = arith.constant 192 : i32
    %add3A_313 = vector.broadcast %add3A_312 : i32 to vector<16xi32>
    %add3A_314 = arith.addi %add3A_313, %iota3A : vector<16xi32>
    %gather3A_315 = tpu.vector_load_idx %arg5[%add3A_314, %broadcast_in_dim3A_217] : memref<512x16xf32, #tpu.memory_space<vmem>>[vector<16xi32>, vector<16xi32>], vector<16xf32>,
    %convert_element_type3A_316 = arith.fptosi %gather3A_315 : vector<16xf32> to vector<16xi32>
    %gather3A_317 = tpu.vector_load_idx %arg7[%convert_element_type3A_316] : memref<128xf32, #tpu.memory_space<vmem>>[vector<16xi32>], vector<16xf32>,
    %swap3A_318 = arith.constant 192 : index
    %swap3A_319 = tpu.vector_load %arg8[%swap3A_318] {strides = array<i32>} : memref<512xf32, #tpu.memory_space<vmem>>, vector<16xf32>,
    tpu.vector_store %arg8[%swap3A_318], %gather3A_317 {strides = array<i32>} : memref<512xf32, #tpu.memory_space<vmem>>, vector<16xf32>,
    %add3A_320 = arith.constant 208 : i32
    %add3A_321 = vector.broadcast %add3A_320 : i32 to vector<16xi32>
    %add3A_322 = arith.addi %add3A_321, %iota3A : vector<16xi32>
    %gather3A_323 = tpu.vector_load_idx %arg5[%add3A_322, %broadcast_in_dim3A_217] : memref<512x16xf32, #tpu.memory_space<vmem>>[vector<16xi32>, vector<16xi32>], vector<16xf32>,
    %convert_element_type3A_324 = arith.fptosi %gather3A_323 : vector<16xf32> to vector<16xi32>
    %gather3A_325 = tpu.vector_load_idx %arg7[%convert_element_type3A_324] : memref<128xf32, #tpu.memory_space<vmem>>[vector<16xi32>], vector<16xf32>,
    %swap3A_326 = arith.constant 208 : index
    %swap3A_327 = tpu.vector_load %arg8[%swap3A_326] {strides = array<i32>} : memref<512xf32, #tpu.memory_space<vmem>>, vector<16xf32>,
    tpu.vector_store %arg8[%swap3A_326], %gather3A_325 {strides = array<i32>} : memref<512xf32, #tpu.memory_space<vmem>>, vector<16xf32>,
    %add3A_328 = arith.constant 224 : i32
    %add3A_329 = vector.broadcast %add3A_328 : i32 to vector<16xi32>
    %add3A_330 = arith.addi %add3A_329, %iota3A : vector<16xi32>
    %gather3A_331 = tpu.vector_load_idx %arg5[%add3A_330, %broadcast_in_dim3A_217] : memref<512x16xf32, #tpu.memory_space<vmem>>[vector<16xi32>, vector<16xi32>], vector<16xf32>,
    %convert_element_type3A_332 = arith.fptosi %gather3A_331 : vector<16xf32> to vector<16xi32>
    %gather3A_333 = tpu.vector_load_idx %arg7[%convert_element_type3A_332] : memref<128xf32, #tpu.memory_space<vmem>>[vector<16xi32>], vector<16xf32>,
    %swap3A_334 = arith.constant 224 : index
    %swap3A_335 = tpu.vector_load %arg8[%swap3A_334] {strides = array<i32>} : memref<512xf32, #tpu.memory_space<vmem>>, vector<16xf32>,
    tpu.vector_store %arg8[%swap3A_334], %gather3A_333 {strides = array<i32>} : memref<512xf32, #tpu.memory_space<vmem>>, vector<16xf32>,
    %add3A_336 = arith.constant 240 : i32
    %add3A_337 = vector.broadcast %add3A_336 : i32 to vector<16xi32>
    %add3A_338 = arith.addi %add3A_337, %iota3A : vector<16xi32>
    %gather3A_339 = tpu.vector_load_idx %arg5[%add3A_338, %broadcast_in_dim3A_217] : memref<512x16xf32, #tpu.memory_space<vmem>>[vector<16xi32>, vector<16xi32>], vector<16xf32>,
    %convert_element_type3A_340 = arith.fptosi %gather3A_339 : vector<16xf32> to vector<16xi32>
    %gather3A_341 = tpu.vector_load_idx %arg7[%convert_element_type3A_340] : memref<128xf32, #tpu.memory_space<vmem>>[vector<16xi32>], vector<16xf32>,
    %swap3A_342 = arith.constant 240 : index
    %swap3A_343 = tpu.vector_load %arg8[%swap3A_342] {strides = array<i32>} : memref<512xf32, #tpu.memory_space<vmem>>, vector<16xf32>,
    tpu.vector_store %arg8[%swap3A_342], %gather3A_341 {strides = array<i32>} : memref<512xf32, #tpu.memory_space<vmem>>, vector<16xf32>,
    %add3A_344 = arith.constant 256 : i32
    %add3A_345 = vector.broadcast %add3A_344 : i32 to vector<16xi32>
    %add3A_346 = arith.addi %add3A_345, %iota3A : vector<16xi32>
    %gather3A_347 = tpu.vector_load_idx %arg5[%add3A_346, %broadcast_in_dim3A_217] : memref<512x16xf32, #tpu.memory_space<vmem>>[vector<16xi32>, vector<16xi32>], vector<16xf32>,
    %convert_element_type3A_348 = arith.fptosi %gather3A_347 : vector<16xf32> to vector<16xi32>
    %gather3A_349 = tpu.vector_load_idx %arg7[%convert_element_type3A_348] : memref<128xf32, #tpu.memory_space<vmem>>[vector<16xi32>], vector<16xf32>,
    %swap3A_350 = arith.constant 256 : index
    %swap3A_351 = tpu.vector_load %arg8[%swap3A_350] {strides = array<i32>} : memref<512xf32, #tpu.memory_space<vmem>>, vector<16xf32>,
    tpu.vector_store %arg8[%swap3A_350], %gather3A_349 {strides = array<i32>} : memref<512xf32, #tpu.memory_space<vmem>>, vector<16xf32>,
    %add3A_352 = arith.constant 272 : i32
    %add3A_353 = vector.broadcast %add3A_352 : i32 to vector<16xi32>
    %add3A_354 = arith.addi %add3A_353, %iota3A : vector<16xi32>
    %gather3A_355 = tpu.vector_load_idx %arg5[%add3A_354, %broadcast_in_dim3A_217] : memref<512x16xf32, #tpu.memory_space<vmem>>[vector<16xi32>, vector<16xi32>], vector<16xf32>,
    %convert_element_type3A_356 = arith.fptosi %gather3A_355 : vector<16xf32> to vector<16xi32>
    %gather3A_357 = tpu.vector_load_idx %arg7[%convert_element_type3A_356] : memref<128xf32, #tpu.memory_space<vmem>>[vector<16xi32>], vector<16xf32>,
    %swap3A_358 = arith.constant 272 : index
    %swap3A_359 = tpu.vector_load %arg8[%swap3A_358] {strides = array<i32>} : memref<512xf32, #tpu.memory_space<vmem>>, vector<16xf32>,
    tpu.vector_store %arg8[%swap3A_358], %gather3A_357 {strides = array<i32>} : memref<512xf32, #tpu.memory_space<vmem>>, vector<16xf32>,
    %add3A_360 = arith.constant 288 : i32
    %add3A_361 = vector.broadcast %add3A_360 : i32 to vector<16xi32>
    %add3A_362 = arith.addi %add3A_361, %iota3A : vector<16xi32>
    %gather3A_363 = tpu.vector_load_idx %arg5[%add3A_362, %broadcast_in_dim3A_217] : memref<512x16xf32, #tpu.memory_space<vmem>>[vector<16xi32>, vector<16xi32>], vector<16xf32>,
    %convert_element_type3A_364 = arith.fptosi %gather3A_363 : vector<16xf32> to vector<16xi32>
    %gather3A_365 = tpu.vector_load_idx %arg7[%convert_element_type3A_364] : memref<128xf32, #tpu.memory_space<vmem>>[vector<16xi32>], vector<16xf32>,
    %swap3A_366 = arith.constant 288 : index
    %swap3A_367 = tpu.vector_load %arg8[%swap3A_366] {strides = array<i32>} : memref<512xf32, #tpu.memory_space<vmem>>, vector<16xf32>,
    tpu.vector_store %arg8[%swap3A_366], %gather3A_365 {strides = array<i32>} : memref<512xf32, #tpu.memory_space<vmem>>, vector<16xf32>,
    %add3A_368 = arith.constant 304 : i32
    %add3A_369 = vector.broadcast %add3A_368 : i32 to vector<16xi32>
    %add3A_370 = arith.addi %add3A_369, %iota3A : vector<16xi32>
    %gather3A_371 = tpu.vector_load_idx %arg5[%add3A_370, %broadcast_in_dim3A_217] : memref<512x16xf32, #tpu.memory_space<vmem>>[vector<16xi32>, vector<16xi32>], vector<16xf32>,
    %convert_element_type3A_372 = arith.fptosi %gather3A_371 : vector<16xf32> to vector<16xi32>
    %gather3A_373 = tpu.vector_load_idx %arg7[%convert_element_type3A_372] : memref<128xf32, #tpu.memory_space<vmem>>[vector<16xi32>], vector<16xf32>,
    %swap3A_374 = arith.constant 304 : index
    %swap3A_375 = tpu.vector_load %arg8[%swap3A_374] {strides = array<i32>} : memref<512xf32, #tpu.memory_space<vmem>>, vector<16xf32>,
    tpu.vector_store %arg8[%swap3A_374], %gather3A_373 {strides = array<i32>} : memref<512xf32, #tpu.memory_space<vmem>>, vector<16xf32>,
    %add3A_376 = arith.constant 320 : i32
    %add3A_377 = vector.broadcast %add3A_376 : i32 to vector<16xi32>
    %add3A_378 = arith.addi %add3A_377, %iota3A : vector<16xi32>
    %gather3A_379 = tpu.vector_load_idx %arg5[%add3A_378, %broadcast_in_dim3A_217] : memref<512x16xf32, #tpu.memory_space<vmem>>[vector<16xi32>, vector<16xi32>], vector<16xf32>,
    %convert_element_type3A_380 = arith.fptosi %gather3A_379 : vector<16xf32> to vector<16xi32>
    %gather3A_381 = tpu.vector_load_idx %arg7[%convert_element_type3A_380] : memref<128xf32, #tpu.memory_space<vmem>>[vector<16xi32>], vector<16xf32>,
    %swap3A_382 = arith.constant 320 : index
    %swap3A_383 = tpu.vector_load %arg8[%swap3A_382] {strides = array<i32>} : memref<512xf32, #tpu.memory_space<vmem>>, vector<16xf32>,
    tpu.vector_store %arg8[%swap3A_382], %gather3A_381 {strides = array<i32>} : memref<512xf32, #tpu.memory_space<vmem>>, vector<16xf32>,
    %add3A_384 = arith.constant 336 : i32
    %add3A_385 = vector.broadcast %add3A_384 : i32 to vector<16xi32>
    %add3A_386 = arith.addi %add3A_385, %iota3A : vector<16xi32>
    %gather3A_387 = tpu.vector_load_idx %arg5[%add3A_386, %broadcast_in_dim3A_217] : memref<512x16xf32, #tpu.memory_space<vmem>>[vector<16xi32>, vector<16xi32>], vector<16xf32>,
    %convert_element_type3A_388 = arith.fptosi %gather3A_387 : vector<16xf32> to vector<16xi32>
    %gather3A_389 = tpu.vector_load_idx %arg7[%convert_element_type3A_388] : memref<128xf32, #tpu.memory_space<vmem>>[vector<16xi32>], vector<16xf32>,
    %swap3A_390 = arith.constant 336 : index
    %swap3A_391 = tpu.vector_load %arg8[%swap3A_390] {strides = array<i32>} : memref<512xf32, #tpu.memory_space<vmem>>, vector<16xf32>,
    tpu.vector_store %arg8[%swap3A_390], %gather3A_389 {strides = array<i32>} : memref<512xf32, #tpu.memory_space<vmem>>, vector<16xf32>,
    %add3A_392 = arith.constant 352 : i32
    %add3A_393 = vector.broadcast %add3A_392 : i32 to vector<16xi32>
    %add3A_394 = arith.addi %add3A_393, %iota3A : vector<16xi32>
    %gather3A_395 = tpu.vector_load_idx %arg5[%add3A_394, %broadcast_in_dim3A_217] : memref<512x16xf32, #tpu.memory_space<vmem>>[vector<16xi32>, vector<16xi32>], vector<16xf32>,
    %convert_element_type3A_396 = arith.fptosi %gather3A_395 : vector<16xf32> to vector<16xi32>
    %gather3A_397 = tpu.vector_load_idx %arg7[%convert_element_type3A_396] : memref<128xf32, #tpu.memory_space<vmem>>[vector<16xi32>], vector<16xf32>,
    %swap3A_398 = arith.constant 352 : index
    %swap3A_399 = tpu.vector_load %arg8[%swap3A_398] {strides = array<i32>} : memref<512xf32, #tpu.memory_space<vmem>>, vector<16xf32>,
    tpu.vector_store %arg8[%swap3A_398], %gather3A_397 {strides = array<i32>} : memref<512xf32, #tpu.memory_space<vmem>>, vector<16xf32>,
    %add3A_400 = arith.constant 368 : i32
    %add3A_401 = vector.broadcast %add3A_400 : i32 to vector<16xi32>
    %add3A_402 = arith.addi %add3A_401, %iota3A : vector<16xi32>
    %gather3A_403 = tpu.vector_load_idx %arg5[%add3A_402, %broadcast_in_dim3A_217] : memref<512x16xf32, #tpu.memory_space<vmem>>[vector<16xi32>, vector<16xi32>], vector<16xf32>,
    %convert_element_type3A_404 = arith.fptosi %gather3A_403 : vector<16xf32> to vector<16xi32>
    %gather3A_405 = tpu.vector_load_idx %arg7[%convert_element_type3A_404] : memref<128xf32, #tpu.memory_space<vmem>>[vector<16xi32>], vector<16xf32>,
    %swap3A_406 = arith.constant 368 : index
    %swap3A_407 = tpu.vector_load %arg8[%swap3A_406] {strides = array<i32>} : memref<512xf32, #tpu.memory_space<vmem>>, vector<16xf32>,
    tpu.vector_store %arg8[%swap3A_406], %gather3A_405 {strides = array<i32>} : memref<512xf32, #tpu.memory_space<vmem>>, vector<16xf32>,
    %add3A_408 = arith.constant 384 : i32
    %add3A_409 = vector.broadcast %add3A_408 : i32 to vector<16xi32>
    %add3A_410 = arith.addi %add3A_409, %iota3A : vector<16xi32>
    %gather3A_411 = tpu.vector_load_idx %arg5[%add3A_410, %broadcast_in_dim3A_217] : memref<512x16xf32, #tpu.memory_space<vmem>>[vector<16xi32>, vector<16xi32>], vector<16xf32>,
    %convert_element_type3A_412 = arith.fptosi %gather3A_411 : vector<16xf32> to vector<16xi32>
    %gather3A_413 = tpu.vector_load_idx %arg7[%convert_element_type3A_412] : memref<128xf32, #tpu.memory_space<vmem>>[vector<16xi32>], vector<16xf32>,
    %swap3A_414 = arith.constant 384 : index
    %swap3A_415 = tpu.vector_load %arg8[%swap3A_414] {strides = array<i32>} : memref<512xf32, #tpu.memory_space<vmem>>, vector<16xf32>,
    tpu.vector_store %arg8[%swap3A_414], %gather3A_413 {strides = array<i32>} : memref<512xf32, #tpu.memory_space<vmem>>, vector<16xf32>,
    %add3A_416 = arith.constant 400 : i32
    %add3A_417 = vector.broadcast %add3A_416 : i32 to vector<16xi32>
    %add3A_418 = arith.addi %add3A_417, %iota3A : vector<16xi32>
    %gather3A_419 = tpu.vector_load_idx %arg5[%add3A_418, %broadcast_in_dim3A_217] : memref<512x16xf32, #tpu.memory_space<vmem>>[vector<16xi32>, vector<16xi32>], vector<16xf32>,
    %convert_element_type3A_420 = arith.fptosi %gather3A_419 : vector<16xf32> to vector<16xi32>
    %gather3A_421 = tpu.vector_load_idx %arg7[%convert_element_type3A_420] : memref<128xf32, #tpu.memory_space<vmem>>[vector<16xi32>], vector<16xf32>,
    %swap3A_422 = arith.constant 400 : index
    %swap3A_423 = tpu.vector_load %arg8[%swap3A_422] {strides = array<i32>} : memref<512xf32, #tpu.memory_space<vmem>>, vector<16xf32>,
    tpu.vector_store %arg8[%swap3A_422], %gather3A_421 {strides = array<i32>} : memref<512xf32, #tpu.memory_space<vmem>>, vector<16xf32>,
    %add3A_424 = arith.constant 416 : i32
    %add3A_425 = vector.broadcast %add3A_424 : i32 to vector<16xi32>
    %add3A_426 = arith.addi %add3A_425, %iota3A : vector<16xi32>
    %gather3A_427 = tpu.vector_load_idx %arg5[%add3A_426, %broadcast_in_dim3A_217] : memref<512x16xf32, #tpu.memory_space<vmem>>[vector<16xi32>, vector<16xi32>], vector<16xf32>,
    %convert_element_type3A_428 = arith.fptosi %gather3A_427 : vector<16xf32> to vector<16xi32>
    %gather3A_429 = tpu.vector_load_idx %arg7[%convert_element_type3A_428] : memref<128xf32, #tpu.memory_space<vmem>>[vector<16xi32>], vector<16xf32>,
    %swap3A_430 = arith.constant 416 : index
    %swap3A_431 = tpu.vector_load %arg8[%swap3A_430] {strides = array<i32>} : memref<512xf32, #tpu.memory_space<vmem>>, vector<16xf32>,
    tpu.vector_store %arg8[%swap3A_430], %gather3A_429 {strides = array<i32>} : memref<512xf32, #tpu.memory_space<vmem>>, vector<16xf32>,
    %add3A_432 = arith.constant 432 : i32
    %add3A_433 = vector.broadcast %add3A_432 : i32 to vector<16xi32>
    %add3A_434 = arith.addi %add3A_433, %iota3A : vector<16xi32>
    %gather3A_435 = tpu.vector_load_idx %arg5[%add3A_434, %broadcast_in_dim3A_217] : memref<512x16xf32, #tpu.memory_space<vmem>>[vector<16xi32>, vector<16xi32>], vector<16xf32>,
    %convert_element_type3A_436 = arith.fptosi %gather3A_435 : vector<16xf32> to vector<16xi32>
    %gather3A_437 = tpu.vector_load_idx %arg7[%convert_element_type3A_436] : memref<128xf32, #tpu.memory_space<vmem>>[vector<16xi32>], vector<16xf32>,
    %swap3A_438 = arith.constant 432 : index
    %swap3A_439 = tpu.vector_load %arg8[%swap3A_438] {strides = array<i32>} : memref<512xf32, #tpu.memory_space<vmem>>, vector<16xf32>,
    tpu.vector_store %arg8[%swap3A_438], %gather3A_437 {strides = array<i32>} : memref<512xf32, #tpu.memory_space<vmem>>, vector<16xf32>,
    %add3A_440 = arith.constant 448 : i32
    %add3A_441 = vector.broadcast %add3A_440 : i32 to vector<16xi32>
    %add3A_442 = arith.addi %add3A_441, %iota3A : vector<16xi32>
    %gather3A_443 = tpu.vector_load_idx %arg5[%add3A_442, %broadcast_in_dim3A_217] : memref<512x16xf32, #tpu.memory_space<vmem>>[vector<16xi32>, vector<16xi32>], vector<16xf32>,
    %convert_element_type3A_444 = arith.fptosi %gather3A_443 : vector<16xf32> to vector<16xi32>
    %gather3A_445 = tpu.vector_load_idx %arg7[%convert_element_type3A_444] : memref<128xf32, #tpu.memory_space<vmem>>[vector<16xi32>], vector<16xf32>,
    %swap3A_446 = arith.constant 448 : index
    %swap3A_447 = tpu.vector_load %arg8[%swap3A_446] {strides = array<i32>} : memref<512xf32, #tpu.memory_space<vmem>>, vector<16xf32>,
    tpu.vector_store %arg8[%swap3A_446], %gather3A_445 {strides = array<i32>} : memref<512xf32, #tpu.memory_space<vmem>>, vector<16xf32>,
    %add3A_448 = arith.constant 464 : i32
    %add3A_449 = vector.broadcast %add3A_448 : i32 to vector<16xi32>
    %add3A_450 = arith.addi %add3A_449, %iota3A : vector<16xi32>
    %gather3A_451 = tpu.vector_load_idx %arg5[%add3A_450, %broadcast_in_dim3A_217] : memref<512x16xf32, #tpu.memory_space<vmem>>[vector<16xi32>, vector<16xi32>], vector<16xf32>,
    %convert_element_type3A_452 = arith.fptosi %gather3A_451 : vector<16xf32> to vector<16xi32>
    %gather3A_453 = tpu.vector_load_idx %arg7[%convert_element_type3A_452] : memref<128xf32, #tpu.memory_space<vmem>>[vector<16xi32>], vector<16xf32>,
    %swap3A_454 = arith.constant 464 : index
    %swap3A_455 = tpu.vector_load %arg8[%swap3A_454] {strides = array<i32>} : memref<512xf32, #tpu.memory_space<vmem>>, vector<16xf32>,
    tpu.vector_store %arg8[%swap3A_454], %gather3A_453 {strides = array<i32>} : memref<512xf32, #tpu.memory_space<vmem>>, vector<16xf32>,
    %add3A_456 = arith.constant 480 : i32
    %add3A_457 = vector.broadcast %add3A_456 : i32 to vector<16xi32>
    %add3A_458 = arith.addi %add3A_457, %iota3A : vector<16xi32>
    %gather3A_459 = tpu.vector_load_idx %arg5[%add3A_458, %broadcast_in_dim3A_217] : memref<512x16xf32, #tpu.memory_space<vmem>>[vector<16xi32>, vector<16xi32>], vector<16xf32>,
    %convert_element_type3A_460 = arith.fptosi %gather3A_459 : vector<16xf32> to vector<16xi32>
    %gather3A_461 = tpu.vector_load_idx %arg7[%convert_element_type3A_460] : memref<128xf32, #tpu.memory_space<vmem>>[vector<16xi32>], vector<16xf32>,
    %swap3A_462 = arith.constant 480 : index
    %swap3A_463 = tpu.vector_load %arg8[%swap3A_462] {strides = array<i32>} : memref<512xf32, #tpu.memory_space<vmem>>, vector<16xf32>,
    tpu.vector_store %arg8[%swap3A_462], %gather3A_461 {strides = array<i32>} : memref<512xf32, #tpu.memory_space<vmem>>, vector<16xf32>,
    %add3A_464 = arith.constant 496 : i32
    %add3A_465 = vector.broadcast %add3A_464 : i32 to vector<16xi32>
    %add3A_466 = arith.addi %add3A_465, %iota3A : vector<16xi32>
    %gather3A_467 = tpu.vector_load_idx %arg5[%add3A_466, %broadcast_in_dim3A_217] : memref<512x16xf32, #tpu.memory_space<vmem>>[vector<16xi32>, vector<16xi32>], vector<16xf32>,
    %convert_element_type3A_468 = arith.fptosi %gather3A_467 : vector<16xf32> to vector<16xi32>
    %gather3A_469 = tpu.vector_load_idx %arg7[%convert_element_type3A_468] : memref<128xf32, #tpu.memory_space<vmem>>[vector<16xi32>], vector<16xf32>,
    %swap3A_470 = arith.constant 496 : index
    %swap3A_471 = tpu.vector_load %arg8[%swap3A_470] {strides = array<i32>} : memref<512xf32, #tpu.memory_space<vmem>>, vector<16xf32>,
    tpu.vector_store %arg8[%swap3A_470], %gather3A_469 {strides = array<i32>} : memref<512xf32, #tpu.memory_space<vmem>>, vector<16xf32>,
    %broadcast_in_dim3A_472 = arith.constant 0.000000e+00 : f32
    %broadcast_in_dim3A_473 = vector.broadcast %broadcast_in_dim3A_472 : f32 to vector<16xf32>
    %scan3A = arith.constant 0 : i32
    %scan3A_474 = arith.constant 128 : i32
    %scan3A_475 = arith.addi %scan3A, %scan3A_474 : i32
    %scan3A_476 = arith.constant 1 : i32
    %scan3A_477 = scf.for %scan3A_481 = %scan3A to %scan3A_475 step %scan3A_476 iter_args(%scan3A_482 = %broadcast_in_dim3A_473) -> (vector<16xf32>)  : i32 {
      %mul3A_483 = arith.constant 16 : i32
      %mul3A_484 = arith.muli %scan3A_481, %mul3A_483 : i32
      %add3A_485 = vector.broadcast %mul3A_484 : i32 to vector<16xi32>
      %add3A_486 = arith.addi %add3A_485, %iota3A : vector<16xi32>
      %jit3A_487 = arith.constant 4 : i32
      %div3A_488 = vector.broadcast %jit3A_487 : i32 to vector<16xi32>
      %div3A_489 = arith.divsi %add3A_486, %div3A_488 : vector<16xi32>
      %sign3A = arith.constant 0 : i32
      %sign3A_490 = vector.broadcast %sign3A : i32 to vector<16xi32>
      %sign3A_491 = arith.cmpi sgt, %add3A_486, %sign3A_490 : vector<16xi32>
      %sign3A_492 = arith.extui %sign3A_491 : vector<16xi1> to vector<16xi32>
      %sign3A_493 = arith.constant 0 : i32
      %sign3A_494 = vector.broadcast %sign3A_493 : i32 to vector<16xi32>
      %sign3A_495 = arith.cmpi slt, %add3A_486, %sign3A_494 : vector<16xi32>
      %sign3A_496 = arith.extui %sign3A_495 : vector<16xi1> to vector<16xi32>
      %sign3A_497 = arith.subi %sign3A_492, %sign3A_496 : vector<16xi32>
      %sign3A_498 = arith.constant 0 : i32
      %sign3A_499 = arith.cmpi sgt, %jit3A_487, %sign3A_498 : i32
      %sign3A_500 = arith.extui %sign3A_499 : i1 to i32
      %sign3A_501 = arith.constant 0 : i32
      %sign3A_502 = arith.cmpi slt, %jit3A_487, %sign3A_501 : i32
      %sign3A_503 = arith.extui %sign3A_502 : i1 to i32
      %sign3A_504 = arith.subi %sign3A_500, %sign3A_503 : i32
      %ne3A = vector.broadcast %sign3A_504 : i32 to vector<16xi32>
      %ne3A_505 = arith.cmpi ne, %sign3A_497, %ne3A : vector<16xi32>
      %rem3A = vector.broadcast %jit3A_487 : i32 to vector<16xi32>
      %rem3A_506 = arith.remsi %add3A_486, %rem3A : vector<16xi32>
      %ne3A_507 = arith.constant 0 : i32
      %ne3A_508 = vector.broadcast %ne3A_507 : i32 to vector<16xi32>
      %ne3A_509 = arith.cmpi ne, %rem3A_506, %ne3A_508 : vector<16xi32>
      %and3A = arith.andi %ne3A_505, %ne3A_509 : vector<16xi1>
      %sub3A_510 = arith.constant 1 : i32
      %sub3A_511 = vector.broadcast %sub3A_510 : i32 to vector<16xi32>
      %sub3A_512 = arith.subi %div3A_489, %sub3A_511 : vector<16xi32>
      %select_n3A_513 = arith.select %and3A, %sub3A_512, %div3A_489 : vector<16xi1>, vector<16xi32>
      %jit3A_514 = arith.constant 4 : i32
      %eq3A_515 = arith.constant 0 : i32
      %eq3A_516 = arith.cmpi eq, %jit3A_514, %eq3A_515 : i32
      %jit3A_517 = arith.constant 1 : i32
      %select_n3A_518 = arith.select %eq3A_516, %jit3A_517, %jit3A_514 : i32
      %rem3A_519 = vector.broadcast %select_n3A_518 : i32 to vector<16xi32>
      %rem3A_520 = arith.remsi %add3A_486, %rem3A_519 : vector<16xi32>
      %ne3A_521 = arith.constant 0 : i32
      %ne3A_522 = vector.broadcast %ne3A_521 : i32 to vector<16xi32>
      %ne3A_523 = arith.cmpi ne, %rem3A_520, %ne3A_522 : vector<16xi32>
      %lt3A = arith.constant 0 : i32
      %lt3A_524 = vector.broadcast %lt3A : i32 to vector<16xi32>
      %lt3A_525 = arith.cmpi slt, %rem3A_520, %lt3A_524 : vector<16xi32>
      %lt3A_526 = arith.constant 0 : i32
      %lt3A_527 = arith.cmpi slt, %select_n3A_518, %lt3A_526 : i32
      %ne3A_528 = vector.broadcast %lt3A_527 : i1 to vector<16xi1>
      %ne3A_529 = vector.broadcast %ne3A_528 : vector<16xi1> to vector<16xi1>
      %ne3A_530 = arith.xori %lt3A_525, %ne3A_529 : vector<16xi1>
      %and3A_531 = arith.andi %ne3A_530, %ne3A_523 : vector<16xi1>
      %add3A_532 = vector.broadcast %select_n3A_518 : i32 to vector<16xi32>
      %add3A_533 = arith.addi %rem3A_520, %add3A_532 : vector<16xi32>
      %select_n3A_534 = arith.select %and3A_531, %add3A_533, %rem3A_520 : vector<16xi1>, vector<16xi32>
      %gather3A_535 = tpu.vector_load_idx %arg5[%select_n3A_513, %select_n3A_534] : memref<512x16xf32, #tpu.memory_space<vmem>>[vector<16xi32>, vector<16xi32>], vector<16xf32>,
      %add3A_536 = arith.constant 4 : i32
      %add3A_537 = vector.broadcast %add3A_536 : i32 to vector<16xi32>
      %add3A_538 = arith.addi %select_n3A_534, %add3A_537 : vector<16xi32>
      %gather3A_539 = tpu.vector_load_idx %arg5[%select_n3A_513, %add3A_538] : memref<512x16xf32, #tpu.memory_space<vmem>>[vector<16xi32>, vector<16xi32>], vector<16xf32>,
      %gather3A_540 = tpu.vector_load_idx %arg8[%select_n3A_513] : memref<512xf32, #tpu.memory_space<vmem>>[vector<16xi32>], vector<16xf32>,
      %sub3A_541 = arith.subf %gather3A_535, %gather3A_539 : vector<16xf32>
      %abs3A = math.absf %sub3A_541 : vector<16xf32>
      %mul3A_542 = arith.mulf %abs3A, %gather3A_540 : vector<16xf32>
      %lt3A_543 = arith.constant 1.000000e+00 : f32
      %lt3A_544 = vector.broadcast %lt3A_543 : f32 to vector<16xf32>
      %lt3A_545 = arith.cmpf olt, %mul3A_542, %lt3A_544 : vector<16xf32>
      %mul3A_546 = arith.constant 5.000000e-01 : f32
      %mul3A_547 = vector.broadcast %mul3A_546 : f32 to vector<16xf32>
      %mul3A_548 = arith.mulf %mul3A_547, %mul3A_542 : vector<16xf32>
      %mul3A_549 = arith.mulf %mul3A_548, %mul3A_542 : vector<16xf32>
      %sub3A_550 = arith.constant 5.000000e-01 : f32
      %sub3A_551 = vector.broadcast %sub3A_550 : f32 to vector<16xf32>
      %sub3A_552 = arith.subf %mul3A_542, %sub3A_551 : vector<16xf32>
      %select_n3A_553 = arith.select %lt3A_545, %mul3A_549, %sub3A_552 : vector<16xi1>, vector<16xf32>
      %add3A_554 = arith.addf %scan3A_482, %select_n3A_553 : vector<16xf32>
      scf.yield %add3A_554 : vector<16xf32>
    }
    %scan3A_478 = arith.constant 128 : i32
    %swap3A_479 = arith.constant 0 : index
    %swap3A_480 = tpu.vector_load %arg9[%swap3A_479] {strides = array<i32>} : memref<16xf32, #tpu.memory_space<vmem>>, vector<16xf32>,
    tpu.vector_store %arg9[%swap3A_479], %scan3A_477 {strides = array<i32>} : memref<16xf32, #tpu.memory_space<vmem>>, vector<16xf32>,
    "tpu.region"() ({
      %run_scoped3A = tpu.sem_alloc : memref<!tpu.dma_semaphore, #tpu.memory_space<semaphore_mem>>
      %dma_start3A = arith.constant 0 : i32
      %dma_start3A_481 = tpu.memref_slice %arg4[%add3A, %dma_start3A] : memref<32x16xf32, #tpu.memory_space<hbm>> -> memref<1x16xf32, #tpu.memory_space<hbm>>
      %dma_start3A_482 = tpu.memref_squeeze %dma_start3A_481 : memref<1x16xf32, #tpu.memory_space<hbm>> -> memref<16xf32, #tpu.memory_space<hbm>>
      %dma_start3A_483 = arith.constant 0 : i32
      %dma_start3A_484 = tpu.memref_slice %arg4[%add3A, %dma_start3A_483] : memref<32x16xf32, #tpu.memory_space<hbm>> -> memref<1x16xf32, #tpu.memory_space<hbm>>
      %dma_start3A_485 = tpu.memref_squeeze %dma_start3A_484 : memref<1x16xf32, #tpu.memory_space<hbm>> -> memref<16xf32, #tpu.memory_space<hbm>>
      tpu.enqueue_dma source(%arg9 : memref<16xf32, #tpu.memory_space<vmem>>) target(%dma_start3A_485 : memref<16xf32, #tpu.memory_space<hbm>>) target_semaphore(%run_scoped3A : memref<!tpu.dma_semaphore, #tpu.memory_space<semaphore_mem>>)
      %dma_wait3A = arith.constant 0 : i32
      %dma_wait3A_486 = tpu.memref_slice %arg4[%add3A, %dma_wait3A] : memref<32x16xf32, #tpu.memory_space<hbm>> -> memref<1x16xf32, #tpu.memory_space<hbm>>
      %dma_wait3A_487 = tpu.memref_squeeze %dma_wait3A_486 : memref<1x16xf32, #tpu.memory_space<hbm>> -> memref<16xf32, #tpu.memory_space<hbm>>
      %dma_wait3A_488 = arith.constant 0 : i32
      %dma_wait3A_489 = tpu.memref_slice %arg4[%add3A, %dma_wait3A_488] : memref<32x16xf32, #tpu.memory_space<hbm>> -> memref<1x16xf32, #tpu.memory_space<hbm>>
      %dma_wait3A_490 = tpu.memref_squeeze %dma_wait3A_489 : memref<1x16xf32, #tpu.memory_space<hbm>> -> memref<16xf32, #tpu.memory_space<hbm>>
      tpu.wait_dma2 semaphore(%run_scoped3A : memref<!tpu.dma_semaphore, #tpu.memory_space<semaphore_mem>>) src(%arg9 : memref<16xf32, #tpu.memory_space<vmem>>) dst(%dma_wait3A_490 : memref<16xf32, #tpu.memory_space<hbm>>)
      tpu.yield
    }) : () -> ()
    return
  }
}

module attributes {stable_mosaic.version = 14 : i64} {
  func.func @_final_body(%arg0: memref<1x128xf32, #tpu.memory_space<vmem>>, %arg1: memref<1x128xf32, #tpu.memory_space<vmem>>, %arg2: memref<32x16xf32, #tpu.memory_space<vmem>>, %arg3: memref<1x1xf32, #tpu.memory_space<vmem>>) attributes {dimension_semantics = [], scalar_prefetch = 0 : i64, scratch_operands = 0 : i64, tpu.core_type = #tpu.core_type<tc>} {
    %get3A = arith.constant 0 : index
    %get3A_0 = arith.constant 0 : index
    %get3A_1 = vector.load %arg0[%get3A, %get3A_0] : memref<1x128xf32, #tpu.memory_space<vmem>>, vector<1x128xf32>
    %get3A_2 = arith.constant 0 : index
    %get3A_3 = arith.constant 0 : index
    %get3A_4 = vector.load %arg1[%get3A_2, %get3A_3] : memref<1x128xf32, #tpu.memory_space<vmem>>, vector<1x128xf32>
    %get3A_5 = arith.constant 0 : index
    %get3A_6 = arith.constant 0 : index
    %get3A_7 = vector.load %arg2[%get3A_5, %get3A_6] : memref<32x16xf32, #tpu.memory_space<vmem>>, vector<32x16xf32>
    %reduce_sum3A = vector.shape_cast %get3A_1 : vector<1x128xf32> to vector<1x1x128xf32>
    %reduce_sum3A_8 = arith.constant dense<0.000000e+00> : vector<1xf32>
    %reduce_sum3A_9 = vector.multi_reduction <add>, %reduce_sum3A, %reduce_sum3A_8 [1, 2] : vector<1x1x128xf32> to vector<1xf32>
    %reduce_sum3A_10 = vector.shape_cast %reduce_sum3A_9 : vector<1xf32> to vector<1x1x1xf32>
    %reduce_sum3A_11 = vector.extract %reduce_sum3A_10[0, 0, 0] : f32 from vector<1x1x1xf32>
    %slice3A = vector.extract_strided_slice %get3A_1 {offsets = [0, 0], sizes = [1, 1], strides = [1, 1]} : vector<1x128xf32> to vector<1x1xf32>
    %squeeze3A = vector.extract %slice3A[0, 0] : f32 from vector<1x1xf32>
    %sub3A = arith.subf %reduce_sum3A_11, %squeeze3A : f32
    %max3A = arith.constant 1.000000e-07 : f32
    %max3A_12 = vector.broadcast %max3A : f32 to vector<1x128xf32>
    %max3A_13 = arith.maximumf %get3A_1, %max3A_12 : vector<1x128xf32>
    %div3A = vector.broadcast %reduce_sum3A_11 : f32 to vector<1x128xf32>
    %div3A_14 = arith.divf %div3A, %max3A_13 : vector<1x128xf32>
    %neg3A = arith.constant 0.000000e+00 : f32
    %neg3A_15 = vector.broadcast %neg3A : f32 to vector<1x128xf32>
    %neg3A_16 = arith.subf %neg3A_15, %div3A_14 : vector<1x128xf32>
    %exp3A = math.exp %neg3A_16 : vector<1x128xf32>
    %add3A = arith.constant 1.000000e+00 : f32
    %add3A_17 = vector.broadcast %add3A : f32 to vector<1x128xf32>
    %add3A_18 = arith.addf %add3A_17, %exp3A : vector<1x128xf32>
    %div3A_19 = arith.constant 1.000000e+00 : f32
    %div3A_20 = vector.broadcast %div3A_19 : f32 to vector<1x128xf32>
    %div3A_21 = arith.divf %div3A_20, %add3A_18 : vector<1x128xf32>
    %mul3A = arith.mulf %div3A_21, %get3A_4 : vector<1x128xf32>
    %reduce_sum3A_22 = vector.shape_cast %mul3A : vector<1x128xf32> to vector<1x1x128xf32>
    %reduce_sum3A_23 = arith.constant dense<0.000000e+00> : vector<1xf32>
    %reduce_sum3A_24 = vector.multi_reduction <add>, %reduce_sum3A_22, %reduce_sum3A_23 [1, 2] : vector<1x1x128xf32> to vector<1xf32>
    %reduce_sum3A_25 = vector.shape_cast %reduce_sum3A_24 : vector<1xf32> to vector<1x1x1xf32>
    %reduce_sum3A_26 = vector.extract %reduce_sum3A_25[0, 0, 0] : f32 from vector<1x1x1xf32>
    %div3A_27 = arith.constant 1.600000e+04 : f32
    %div3A_28 = arith.divf %reduce_sum3A_26, %div3A_27 : f32
    %reduce_sum3A_29 = vector.shape_cast %get3A_7 : vector<32x16xf32> to vector<1x32x16xf32>
    %reduce_sum3A_30 = arith.constant dense<0.000000e+00> : vector<1xf32>
    %reduce_sum3A_31 = vector.multi_reduction <add>, %reduce_sum3A_29, %reduce_sum3A_30 [1, 2] : vector<1x32x16xf32> to vector<1xf32>
    %reduce_sum3A_32 = vector.shape_cast %reduce_sum3A_31 : vector<1xf32> to vector<1x1x1xf32>
    %reduce_sum3A_33 = vector.extract %reduce_sum3A_32[0, 0, 0] : f32 from vector<1x1x1xf32>
    %max3A_34 = arith.constant 1.000000e-07 : f32
    %max3A_35 = arith.maximumf %max3A_34, %sub3A : f32
    %div3A_36 = arith.divf %reduce_sum3A_33, %max3A_35 : f32
    %add3A_37 = arith.addf %div3A_28, %div3A_36 : f32
    %broadcast_in_dim3A = vector.broadcast %add3A_37 : f32 to vector<1x1xf32>
    %swap3A = arith.constant 0 : index
    %swap3A_38 = arith.constant 0 : index
    %swap3A_39 = vector.load %arg3[%swap3A, %swap3A_38] : memref<1x1xf32, #tpu.memory_space<vmem>>, vector<1x1xf32>
    tpu.vector_store %arg3[%swap3A, %swap3A_38], %broadcast_in_dim3A {strides = array<i32>} : memref<1x1xf32, #tpu.memory_space<vmem>>, vector<1x1xf32>,
    return
  }
}

module attributes {stable_mosaic.version = 14 : i64} {
  func.func @_stats_body(%arg0: i32, %arg1: memref<2000x81xf32, #tpu.memory_space<vmem>>, %arg2: memref<2000x81xf32, #tpu.memory_space<vmem>>, %arg3: memref<2000x324xf32, #tpu.memory_space<vmem>>, %arg4: memref<2000x324xf32, #tpu.memory_space<vmem>>, %arg5: memref<2000x16xf32, #tpu.memory_space<vmem>>, %arg6: memref<1x128xf32, #tpu.memory_space<vmem>>, %arg7: memref<1x128xf32, #tpu.memory_space<vmem>>) attributes {dimension_semantics = [#tpu.dimension_semantics<arbitrary>], iteration_bounds = array<i64: 8>, scalar_prefetch = 0 : i64, scratch_operands = 0 : i64, tpu.core_type = #tpu.core_type<tc>, window_params = [{transform_indices = @transform_0, window_bounds = array<i64: 2000, 81>}, {transform_indices = @transform_1, window_bounds = array<i64: 2000, 81>}, {transform_indices = @transform_2, window_bounds = array<i64: 2000, 324>}, {transform_indices = @transform_3, window_bounds = array<i64: 2000, 324>}, {transform_indices = @transform_4, window_bounds = array<i64: 2000, 16>}, {pipeline_mode = #tpu.pipeline_mode<synchronous>, transform_indices = @transform_5, window_bounds = array<i64: 1, 128>}, {pipeline_mode = #tpu.pipeline_mode<synchronous>, transform_indices = @transform_6, window_bounds = array<i64: 1, 128>}]} {
    %get3A = arith.constant 0 : index
    %get3A_0 = arith.constant 0 : index
    %get3A_1 = vector.load %arg1[%get3A, %get3A_0] : memref<2000x81xf32, #tpu.memory_space<vmem>>, vector<2000x81xf32>
    %get3A_2 = arith.constant 0 : index
    %get3A_3 = arith.constant 0 : index
    %get3A_4 = vector.load %arg2[%get3A_2, %get3A_3] : memref<2000x81xf32, #tpu.memory_space<vmem>>, vector<2000x81xf32>
    %iota3A = tpu.iota {dimensions = array<i32: 1>} : vector<2000x81xi32>
    %convert_element_type3A = arith.sitofp %iota3A : vector<2000x81xi32> to vector<2000x81xf32>
    %mul3A = arith.mulf %get3A_1, %convert_element_type3A : vector<2000x81xf32>
    %reduce_sum3A = arith.constant dense<0.000000e+00> : vector<2000xf32>
    %reduce_sum3A_5 = vector.multi_reduction <add>, %mul3A, %reduce_sum3A [1] : vector<2000x81xf32> to vector<2000xf32>
    %broadcast_in_dim3A = vector.shape_cast %reduce_sum3A_5 : vector<2000xf32> to vector<2000x1xf32>
    %reduce_sum3A_6 = arith.constant dense<0.000000e+00> : vector<2000xf32>
    %reduce_sum3A_7 = vector.multi_reduction <add>, %get3A_4, %reduce_sum3A_6 [1] : vector<2000x81xf32> to vector<2000xf32>
    %broadcast_in_dim3A_8 = vector.shape_cast %reduce_sum3A_7 : vector<2000xf32> to vector<2000x1xf32>
    %mul3A_9 = arith.mulf %get3A_1, %get3A_4 : vector<2000x81xf32>
    %reduce_sum3A_10 = arith.constant dense<0.000000e+00> : vector<2000xf32>
    %reduce_sum3A_11 = vector.multi_reduction <add>, %mul3A_9, %reduce_sum3A_10 [1] : vector<2000x81xf32> to vector<2000xf32>
    %broadcast_in_dim3A_12 = vector.shape_cast %reduce_sum3A_11 : vector<2000xf32> to vector<2000x1xf32>
    %div3A = arith.divf %broadcast_in_dim3A_12, %broadcast_in_dim3A_8 : vector<2000x1xf32>
    %jit3A = arith.constant 1.000000e-07 : f32
    %jit3A_13 = arith.constant 0.99999988 : f32
    %max3A = vector.broadcast %jit3A : f32 to vector<2000x1xf32>
    %max3A_14 = arith.maximumf %max3A, %div3A : vector<2000x1xf32>
    %min3A = vector.broadcast %jit3A_13 : f32 to vector<2000x1xf32>
    %min3A_15 = arith.minimumf %min3A, %max3A_14 : vector<2000x1xf32>
    %log3A = math.log %min3A_15 : vector<2000x1xf32>
    %neg3A = arith.constant 0.000000e+00 : f32
    %neg3A_16 = vector.broadcast %neg3A : f32 to vector<2000x1xf32>
    %neg3A_17 = arith.subf %neg3A_16, %log3A : vector<2000x1xf32>
    %iota3A_18 = tpu.iota {dimensions = array<i32: 1>} : vector<81x324xi32>
    %jit3A_19 = arith.constant 4 : i32
    %div3A_20 = vector.broadcast %jit3A_19 : i32 to vector<81x324xi32>
    %div3A_21 = arith.divsi %iota3A_18, %div3A_20 : vector<81x324xi32>
    %sign3A = arith.constant 0 : i32
    %sign3A_22 = vector.broadcast %sign3A : i32 to vector<81x324xi32>
    %sign3A_23 = arith.cmpi sgt, %iota3A_18, %sign3A_22 : vector<81x324xi32>
    %sign3A_24 = arith.extui %sign3A_23 : vector<81x324xi1> to vector<81x324xi32>
    %sign3A_25 = arith.constant 0 : i32
    %sign3A_26 = vector.broadcast %sign3A_25 : i32 to vector<81x324xi32>
    %sign3A_27 = arith.cmpi slt, %iota3A_18, %sign3A_26 : vector<81x324xi32>
    %sign3A_28 = arith.extui %sign3A_27 : vector<81x324xi1> to vector<81x324xi32>
    %sign3A_29 = arith.subi %sign3A_24, %sign3A_28 : vector<81x324xi32>
    %sign3A_30 = arith.constant 0 : i32
    %sign3A_31 = arith.cmpi sgt, %jit3A_19, %sign3A_30 : i32
    %sign3A_32 = arith.extui %sign3A_31 : i1 to i32
    %sign3A_33 = arith.constant 0 : i32
    %sign3A_34 = arith.cmpi slt, %jit3A_19, %sign3A_33 : i32
    %sign3A_35 = arith.extui %sign3A_34 : i1 to i32
    %sign3A_36 = arith.subi %sign3A_32, %sign3A_35 : i32
    %ne3A = vector.broadcast %sign3A_36 : i32 to vector<81x324xi32>
    %ne3A_37 = arith.cmpi ne, %sign3A_29, %ne3A : vector<81x324xi32>
    %rem3A = vector.broadcast %jit3A_19 : i32 to vector<81x324xi32>
    %rem3A_38 = arith.remsi %iota3A_18, %rem3A : vector<81x324xi32>
    %ne3A_39 = arith.constant 0 : i32
    %ne3A_40 = vector.broadcast %ne3A_39 : i32 to vector<81x324xi32>
    %ne3A_41 = arith.cmpi ne, %rem3A_38, %ne3A_40 : vector<81x324xi32>
    %and3A = arith.andi %ne3A_37, %ne3A_41 : vector<81x324xi1>
    %sub3A = arith.constant 1 : i32
    %sub3A_42 = vector.broadcast %sub3A : i32 to vector<81x324xi32>
    %sub3A_43 = arith.subi %div3A_21, %sub3A_42 : vector<81x324xi32>
    %select_n3A = arith.select %and3A, %sub3A_43, %div3A_21 : vector<81x324xi1>, vector<81x324xi32>
    %iota3A_44 = tpu.iota {dimensions = array<i32: 0>} : vector<81x324xi32>
    %eq3A = arith.cmpi eq, %select_n3A, %iota3A_44 : vector<81x324xi32>
    %convert_element_type3A_45 = arith.extui %eq3A : vector<81x324xi1> to vector<81x324xi32>
    %convert_element_type3A_46 = arith.sitofp %convert_element_type3A_45 : vector<81x324xi32> to vector<81x324xf32>
    %iota3A_47 = tpu.iota {dimensions = array<i32: 0>} : vector<324x4xi32>
    %jit3A_48 = arith.constant 4 : i32
    %eq3A_49 = arith.constant 0 : i32
    %eq3A_50 = arith.cmpi eq, %jit3A_48, %eq3A_49 : i32
    %jit3A_51 = arith.constant 1 : i32
    %select_n3A_52 = arith.select %eq3A_50, %jit3A_51, %jit3A_48 : i32
    %rem3A_53 = vector.broadcast %select_n3A_52 : i32 to vector<324x4xi32>
    %rem3A_54 = arith.remsi %iota3A_47, %rem3A_53 : vector<324x4xi32>
    %ne3A_55 = arith.constant 0 : i32
    %ne3A_56 = vector.broadcast %ne3A_55 : i32 to vector<324x4xi32>
    %ne3A_57 = arith.cmpi ne, %rem3A_54, %ne3A_56 : vector<324x4xi32>
    %lt3A = arith.constant 0 : i32
    %lt3A_58 = vector.broadcast %lt3A : i32 to vector<324x4xi32>
    %lt3A_59 = arith.cmpi slt, %rem3A_54, %lt3A_58 : vector<324x4xi32>
    %lt3A_60 = arith.constant 0 : i32
    %lt3A_61 = arith.cmpi slt, %select_n3A_52, %lt3A_60 : i32
    %ne3A_62 = vector.broadcast %lt3A_61 : i1 to vector<324x4xi1>
    %ne3A_63 = vector.broadcast %ne3A_62 : vector<324x4xi1> to vector<324x4xi1>
    %ne3A_64 = arith.xori %lt3A_59, %ne3A_63 : vector<324x4xi1>
    %and3A_65 = arith.andi %ne3A_64, %ne3A_57 : vector<324x4xi1>
    %add3A = vector.broadcast %select_n3A_52 : i32 to vector<324x4xi32>
    %add3A_66 = arith.addi %rem3A_54, %add3A : vector<324x4xi32>
    %select_n3A_67 = arith.select %and3A_65, %add3A_66, %rem3A_54 : vector<324x4xi1>, vector<324x4xi32>
    %iota3A_68 = tpu.iota {dimensions = array<i32: 1>} : vector<324x4xi32>
    %eq3A_69 = arith.cmpi eq, %select_n3A_67, %iota3A_68 : vector<324x4xi32>
    %convert_element_type3A_70 = arith.extui %eq3A_69 : vector<324x4xi1> to vector<324x4xi32>
    %convert_element_type3A_71 = arith.sitofp %convert_element_type3A_70 : vector<324x4xi32> to vector<324x4xf32>
    %dot_general3A = arith.constant dense<0.000000e+00> : vector<2000x324xf32>
    %dot_general3A_72 = tpu.matmul %get3A_1, %convert_element_type3A_46, %dot_general3A {dimension_numbers = #tpu.dot_dimension_numbers<[1], [0], [0], [1], [0, 0, 1, 1], [], []>, transpose_lhs_hint = false} : vector<2000x81xf32>, vector<81x324xf32>, vector<2000x324xf32> -> vector<2000x324xf32>
    %get3A_73 = arith.constant 0 : index
    %get3A_74 = arith.constant 0 : index
    %get3A_75 = vector.load %arg3[%get3A_73, %get3A_74] : memref<2000x324xf32, #tpu.memory_space<vmem>>, vector<2000x324xf32>
    %mul3A_76 = arith.mulf %get3A_75, %dot_general3A_72 : vector<2000x324xf32>
    %dot_general3A_77 = arith.constant dense<0.000000e+00> : vector<2000x4xf32>
    %dot_general3A_78 = tpu.matmul %mul3A_76, %convert_element_type3A_71, %dot_general3A_77 {dimension_numbers = #tpu.dot_dimension_numbers<[1], [0], [0], [1], [0, 0, 1, 1], [], []>, transpose_lhs_hint = false} : vector<2000x324xf32>, vector<324x4xf32>, vector<2000x4xf32> -> vector<2000x4xf32>
    %get3A_79 = arith.constant 0 : index
    %get3A_80 = arith.constant 0 : index
    %get3A_81 = vector.load %arg4[%get3A_79, %get3A_80] : memref<2000x324xf32, #tpu.memory_space<vmem>>, vector<2000x324xf32>
    %mul3A_82 = arith.mulf %get3A_81, %dot_general3A_72 : vector<2000x324xf32>
    %dot_general3A_83 = arith.constant dense<0.000000e+00> : vector<2000x4xf32>
    %dot_general3A_84 = tpu.matmul %mul3A_82, %convert_element_type3A_71, %dot_general3A_83 {dimension_numbers = #tpu.dot_dimension_numbers<[1], [0], [0], [1], [0, 0, 1, 1], [], []>, transpose_lhs_hint = false} : vector<2000x324xf32>, vector<324x4xf32>, vector<2000x4xf32> -> vector<2000x4xf32>
    %broadcast_in_dim3A_85 = arith.constant 0.000000e+00 : f32
    %broadcast_in_dim3A_86 = vector.broadcast %broadcast_in_dim3A_85 : f32 to vector<2000x7xf32>
    %concatenate3A = tpu.concatenate %dot_general3A_78, %dot_general3A_84, %broadcast_in_dim3A, %broadcast_in_dim3A_86 in 1 : vector<2000x4xf32>, vector<2000x4xf32>, vector<2000x1xf32>, vector<2000x7xf32> -> vector<2000x16xf32>
    %swap3A = arith.constant 0 : index
    %swap3A_87 = arith.constant 0 : index
    %swap3A_88 = vector.load %arg5[%swap3A, %swap3A_87] : memref<2000x16xf32, #tpu.memory_space<vmem>>, vector<2000x16xf32>
    tpu.vector_store %arg5[%swap3A, %swap3A_87], %concatenate3A {strides = array<i32>} : memref<2000x16xf32, #tpu.memory_space<vmem>>, vector<2000x16xf32>,
    %broadcast_in_dim3A_89 = arith.constant 0.000000e+00 : f32
    %broadcast_in_dim3A_90 = vector.broadcast %broadcast_in_dim3A_89 : f32 to vector<1x47xf32>
    %reduce_sum3A_91 = arith.constant dense<0.000000e+00> : vector<81xf32>
    %reduce_sum3A_92 = vector.multi_reduction <add>, %get3A_1, %reduce_sum3A_91 [0] : vector<2000x81xf32> to vector<81xf32>
    %broadcast_in_dim3A_93 = vector.shape_cast %reduce_sum3A_92 : vector<81xf32> to vector<1x81xf32>
    %concatenate3A_94 = tpu.concatenate %broadcast_in_dim3A_93, %broadcast_in_dim3A_90 in 1 : vector<1x81xf32>, vector<1x47xf32> -> vector<1x128xf32>
    %mul3A_95 = vector.broadcast %neg3A_17 : vector<2000x1xf32> to vector<2000x81xf32>
    %mul3A_96 = arith.mulf %get3A_1, %mul3A_95 : vector<2000x81xf32>
    %reduce_sum3A_97 = arith.constant dense<0.000000e+00> : vector<81xf32>
    %reduce_sum3A_98 = vector.multi_reduction <add>, %mul3A_96, %reduce_sum3A_97 [0] : vector<2000x81xf32> to vector<81xf32>
    %broadcast_in_dim3A_99 = vector.shape_cast %reduce_sum3A_98 : vector<81xf32> to vector<1x81xf32>
    %concatenate3A_100 = tpu.concatenate %broadcast_in_dim3A_99, %broadcast_in_dim3A_90 in 1 : vector<1x81xf32>, vector<1x47xf32> -> vector<1x128xf32>
    %eq3A_101 = arith.constant 0 : i32
    %eq3A_102 = arith.cmpi eq, %arg0, %eq3A_101 : i32
    %convert_element_type3A_103 = arith.extui %eq3A_102 : i1 to i32
    %cond3A = arith.constant 0 : i32
    %cond3A_104 = arith.cmpi ne, %convert_element_type3A_103, %cond3A : i32
    scf.if %cond3A_104 {
      %broadcast_in_dim3A_119 = arith.constant 0.000000e+00 : f32
      %broadcast_in_dim3A_120 = vector.broadcast %broadcast_in_dim3A_119 : f32 to vector<1x128xf32>
      %swap3A_121 = arith.constant 0 : index
      %swap3A_122 = arith.constant 0 : index
      %swap3A_123 = vector.load %arg6[%swap3A_121, %swap3A_122] : memref<1x128xf32, #tpu.memory_space<vmem>>, vector<1x128xf32>
      tpu.vector_store %arg6[%swap3A_121, %swap3A_122], %broadcast_in_dim3A_120 {strides = array<i32>} : memref<1x128xf32, #tpu.memory_space<vmem>>, vector<1x128xf32>,
      %broadcast_in_dim3A_124 = arith.constant 0.000000e+00 : f32
      %broadcast_in_dim3A_125 = vector.broadcast %broadcast_in_dim3A_124 : f32 to vector<1x128xf32>
      %swap3A_126 = arith.constant 0 : index
      %swap3A_127 = arith.constant 0 : index
      %swap3A_128 = vector.load %arg7[%swap3A_126, %swap3A_127] : memref<1x128xf32, #tpu.memory_space<vmem>>, vector<1x128xf32>
      tpu.vector_store %arg7[%swap3A_126, %swap3A_127], %broadcast_in_dim3A_125 {strides = array<i32>} : memref<1x128xf32, #tpu.memory_space<vmem>>, vector<1x128xf32>,
    } else {
    }
    %get3A_105 = arith.constant 0 : index
    %get3A_106 = arith.constant 0 : index
    %get3A_107 = vector.load %arg6[%get3A_105, %get3A_106] : memref<1x128xf32, #tpu.memory_space<vmem>>, vector<1x128xf32>
    %add3A_108 = arith.addf %get3A_107, %concatenate3A_94 : vector<1x128xf32>
    %swap3A_109 = arith.constant 0 : index
    %swap3A_110 = arith.constant 0 : index
    %swap3A_111 = vector.load %arg6[%swap3A_109, %swap3A_110] : memref<1x128xf32, #tpu.memory_space<vmem>>, vector<1x128xf32>
    tpu.vector_store %arg6[%swap3A_109, %swap3A_110], %add3A_108 {strides = array<i32>} : memref<1x128xf32, #tpu.memory_space<vmem>>, vector<1x128xf32>,
    %get3A_112 = arith.constant 0 : index
    %get3A_113 = arith.constant 0 : index
    %get3A_114 = vector.load %arg7[%get3A_112, %get3A_113] : memref<1x128xf32, #tpu.memory_space<vmem>>, vector<1x128xf32>
    %add3A_115 = arith.addf %get3A_114, %concatenate3A_100 : vector<1x128xf32>
    %swap3A_116 = arith.constant 0 : index
    %swap3A_117 = arith.constant 0 : index
    %swap3A_118 = vector.load %arg7[%swap3A_116, %swap3A_117] : memref<1x128xf32, #tpu.memory_space<vmem>>, vector<1x128xf32>
    tpu.vector_store %arg7[%swap3A_116, %swap3A_117], %add3A_115 {strides = array<i32>} : memref<1x128xf32, #tpu.memory_space<vmem>>, vector<1x128xf32>,
    return
  }
  func.func @transform_0(%arg0: i32) -> (i32, i32) {
    %c0_i32 = arith.constant 0 : i32
    %c0_i32_0 = arith.constant 0 : i32
    return %arg0, %c0_i32 : i32, i32
  }
  func.func @transform_1(%arg0: i32) -> (i32, i32) {
    %c0_i32 = arith.constant 0 : i32
    %c0_i32_0 = arith.constant 0 : i32
    return %arg0, %c0_i32 : i32, i32
  }
  func.func @transform_2(%arg0: i32) -> (i32, i32) {
    %c0_i32 = arith.constant 0 : i32
    %c0_i32_0 = arith.constant 0 : i32
    return %arg0, %c0_i32 : i32, i32
  }
  func.func @transform_3(%arg0: i32) -> (i32, i32) {
    %c0_i32 = arith.constant 0 : i32
    %c0_i32_0 = arith.constant 0 : i32
    return %arg0, %c0_i32 : i32, i32
  }
  func.func @transform_4(%arg0: i32) -> (i32, i32) {
    %c0_i32 = arith.constant 0 : i32
    %c0_i32_0 = arith.constant 0 : i32
    return %arg0, %c0_i32 : i32, i32
  }
  func.func @transform_5(%arg0: i32) -> (i32, i32) {
    %c0_i32 = arith.constant 0 : i32
    %c0_i32_0 = arith.constant 0 : i32
    %c0_i32_1 = arith.constant 0 : i32
    return %c0_i32, %c0_i32_0 : i32, i32
  }
  func.func @transform_6(%arg0: i32) -> (i32, i32) {
    %c0_i32 = arith.constant 0 : i32
    %c0_i32_0 = arith.constant 0 : i32
    %c0_i32_1 = arith.constant 0 : i32
    return %c0_i32, %c0_i32_0 : i32, i32
  }
}

</mosaic_0001>

<sc_bundles>
// kernel: kernel.5.cloned.1.call-start
scs
__scs_entry_jumppad:
0x0: {  	(pc) =	sbr.rel $0x88, $3  }
0x1: {  	(tag) =	ssettag $0x0;
	lr =	simm.s32 $0x1  }
0x2: {  	[smem:$0x3F9D] =	sst lr;
	_ =	strace $0xD0000000  }
0x3: {  	_ = 	snop  }
0x4: {  	_ = 	snop  }
0x5: {  	_ = 	snop  }
0x6: {  	_ = 	snop  }
0x7: {  	_ = 	snop  }
__scs_overlays_trampoline_lowered:
0x8: {  	[smem:$0x3FAC] =	sst s0  }
0x9: {  	[smem:$0x3FAD] =	sst s1  }
0xa: {  	[smem:$0x3FAE] =	sst s2  }
0xb: {  	[smem:$0x3FAF] =	sst s3  }
0xc: {  	[smem:$0x3FB0] =	sst s4  }
0xd: {  	[smem:$0x3FB1] =	sst s5  }
0xe: {  	[smem:$0x3FB2] =	sst s6  }
0xf: {  	[smem:$0x3FB3] =	sst s7  }
0x10: {  	[smem:$0x3FB4] =	sst s8  }
0x11: {  	[smem:$0x3FB5] =	sst s9;
	s0 =	simm.s32 @!p0 $0x0  }
0x12: {  	s1 =	sld [smem:$0x3F9B];
	s0 =	simm.s32 @p0 $0x1  }
0x13: {  	[smem:$0x3FB6] =	sst s0;
	s0 =	simm.s32 @!p1 $0x0  }
0x14: {  	s2 =	sld [smem:$0x3F9A];
	s0 =	simm.s32 @p1 $0x1  }
0x15: {  	[smem:$0x3FB7] =	sst s0;
	s0 =	simm.s32 @!p2 $0x0  }
0x16: {  	s3 =	sld [smem:$0x3FDB];
	s0 =	simm.s32 @p2 $0x1  }
0x17: {  	s4 =	simm.s32 $0x1BF5;
	[smem:$0x3FB9] =	sst s0  }
0x18: {  	s0 =	sld [smem:$0x3F9C];
	_ =	swait.ge [sflag:s4], $0x0  }
0x19: {  	s7 =	sld [smem:$0x3F9D]  }
0x1a: {  	s8 =	sadd.s32 $0xFFFFE003, lr  }
0x1b: {  	s9 =	sadd.s32 $0xFFFFFEF7, lr;
	s5 =	simm.s32 $0xFFFFFFFF;
	p2 =	slt.u32 s8, $0xFFFFF086  }
0x1c: {  	p1 =	slt.u32 s9, $0xF7A;
	s5 =	simm.s32 @!p2 $0x0  }
0x1d: {  	s5 =	simm.s32 @p1 $0x1;
	p0 =	seq.s32 s7, s2  }
0x1e: {  	s7 =	smul.u32 @!p0 $0xF7A, s2;
	p2 =	seq.s32 @!p0 s5, $0x0  }
0x1f: {  	s9 =	smul.u32 $0xF7A, s1;
	s8 =	simm.s32 @!p0 $0x1BF5;
	p2 =	por !p2, p0  }
0x20: {  	[sflag:s8] =	ssyncset.s32 @!p0 $0xFFFFF086;
	s6 =	sadd.s32 @!p0 s3, s7;
	s7 =	simm.s32 @!p0 $0x108  }
0x21: {  	s3 =	sadd.s32 s3, s9;
	s6 =	sadd.s32 @!p0 $0x88, s6;
	s7 =	simm.s32 @p2 $0x1082  }
0x22: {  	[simem:s7], [sflag:s8] =	dma.local @!p0 [hbm:s6], $0xF7A  }
0x23: {  	s9 =	sor.u32 $0xD0000000, s2;
	s6 =	simm.s32 $0x108;
	_ =	swait.ge @!p0 [sflag:s8], $0x0  }
0x24: {  	s3 =	sadd.s32 $0x88, s3;
	s6 =	simm.s32 @!p1 $0x1082;
	[sflag:s4] =	ssyncset.s32 $0xFFFFF086  }
0x25: {  	[simem:s6], [sflag:s4] =	dma.local [hbm:s3], $0xF7A  }
0x26: {  	[smem:$0x3F9D] =	sst s1;
	(tag) =	ssettag s2;
	_ =	strace s9  }
0x27: {  	s1 =	sld [smem:$0x3FAD]  }
0x28: {  	s2 =	sld [smem:$0x3FAE]  }
0x29: {  	s4 =	sld [smem:$0x3FB0]  }
0x2a: {  	p0 =	seq.s32 s5, $0x0;
	s5 =	sld [smem:$0x3FB1]  }
0x2b: {  	s6 =	sld [smem:$0x3FB2]  }
0x2c: {  	s7 =	sld [smem:$0x3FB3]  }
0x2d: {  	s3 =	simm.s32 $0x108;
	s8 =	sld [smem:$0x3FB4]  }
0x2e: {  	s3 =	simm.s32 @!p0 $0x1082;
	s9 =	sld [smem:$0x3FB5]  }
0x2f: {  	lr =	sadd.s32 s0, s3;
	s0 =	sld [smem:$0x3FAC]  }
0x30: {  	s3 =	sld [smem:$0x3FAF]  }
0x31: {  	[smem:$0x3FB8] =	sst s10  }
0x32: {  	s10 =	sld [smem:$0x3FB6];
	_ =	sdelay $0x3  }
0x33: {  	p0 =	seq.s32 s10, $0x1;
	s10 =	sld [smem:$0x3FB8];
	_ =	sdelay $0x3  }
0x34: {  	[smem:$0x3FB8] =	sst s10  }
0x35: {  	s10 =	sld [smem:$0x3FB7];
	_ =	sdelay $0x3  }
0x36: {  	p1 =	seq.s32 s10, $0x1;
	s10 =	sld [smem:$0x3FB8];
	_ =	sdelay $0x3  }
0x37: {  	[smem:$0x3FB8] =	sst s10  }
0x38: {  	s10 =	sld [smem:$0x3FB9]  }
0x39: {  	_ = 	snop;
	(pc) =	sbr.ind lr, $3  }
0x3a: {  	_ = 	snop  }
0x3b: {  	_ = 	snop  }
0x3c: {  	p2 =	seq.s32 s10, $0x1;
	s10 =	sld [smem:$0x3FB8]  }
0x3d: {  	_ =	shalt  }
0x3e: {  	_ =	shalt  }
0x3f: {  	_ =	shalt  }
0x40: {  	_ =	shalt  }
0x41: {  	_ =	shalt  }
0x42: {  	_ =	shalt  }
0x43: {  	_ =	shalt  }
0x44: {  	_ =	shalt  }
0x45: {  	_ =	shalt  }
0x46: {  	_ =	shalt  }
0x47: {  	_ =	shalt  }
0x48: {  	_ =	shalt  }
0x49: {  	_ =	shalt  }
0x4a: {  	_ =	shalt  }
0x4b: {  	_ =	shalt  }
0x4c: {  	_ =	shalt  }
0x4d: {  	_ =	shalt  }
0x4e: {  	_ =	shalt  }
0x4f: {  	_ =	shalt  }
0x50: {  	_ =	shalt  }
0x51: {  	_ =	shalt  }
0x52: {  	_ =	shalt  }
0x53: {  	_ =	shalt  }
0x54: {  	_ =	shalt  }
0x55: {  	_ =	shalt  }
0x56: {  	_ =	shalt  }
0x57: {  	_ =	shalt  }
0x58: {  	_ =	shalt  }
0x59: {  	_ =	shalt  }
0x5a: {  	_ =	shalt  }
0x5b: {  	_ =	shalt  }
0x5c: {  	_ =	shalt  }
0x5d: {  	_ =	shalt  }
0x5e: {  	_ =	shalt  }
0x5f: {  	_ =	shalt  }
0x60: {  	_ =	shalt  }
0x61: {  	_ =	shalt  }
0x62: {  	_ =	shalt  }
0x63: {  	_ =	shalt  }
0x64: {  	_ =	shalt  }
0x65: {  	_ =	shalt  }
0x66: {  	_ =	shalt  }
0x67: {  	_ =	shalt  }
0x68: {  	_ =	shalt  }
0x69: {  	_ =	shalt  }
0x6a: {  	_ =	shalt  }
0x6b: {  	_ =	shalt  }
0x6c: {  	_ =	shalt  }
0x6d: {  	_ =	shalt  }
0x6e: {  	_ =	shalt  }
0x6f: {  	_ =	shalt  }
0x70: {  	_ =	shalt  }
0x71: {  	_ =	shalt  }
0x72: {  	_ =	shalt  }
0x73: {  	_ =	shalt  }
0x74: {  	_ =	shalt  }
0x75: {  	_ =	shalt  }
0x76: {  	_ =	shalt  }
0x77: {  	_ =	shalt  }
0x78: {  	_ =	shalt  }
0x79: {  	_ =	shalt  }
0x7a: {  	_ =	shalt  }
0x7b: {  	_ =	shalt  }
0x7c: {  	_ =	shalt  }
0x7d: {  	_ =	shalt  }
0x7e: {  	_ =	shalt  }
0x7f: {  	_ =	shalt  }
0x80: {  	_ =	shalt  }
0x81: {  	_ =	shalt  }
0x82: {  	_ =	shalt  }
0x83: {  	_ =	shalt  }
0x84: {  	_ =	shalt  }
0x85: {  	_ =	shalt  }
0x86: {  	_ =	shalt  }
0x87: {  	_ =	shalt  }
.Lfunc_end0:
.L_simem_size_0:
called_computation_lowered:
.L_overlay_start_0:
0x88: {  	s2 =	sld [smem:$0x3FD9]  }
0x89: {  	s3 =	sld [smem:$0x3FFE];
	_ =	sdelay $0x1  }
0x8a: {  	s1 =	srdreg.scid  }
0x8b: {  	s0 =	sand.u32 $0x1, s1  }
0x8c: {  	s17 =	sshll.u32 s0, $0xA;
	s2 =	sadd.s32 s3, s2  }
0x8d: {  	s2 =	sadd.s32 s2, s17  }
0x8e: {  	[smem:$0x3FC4] =	sst s2  }
0x8f: {  	_ = 	snop  }
0x90: {  	s2 =	sld [smem:$0x3FD0];
	(tm) =	ssettm $0x1  }
0x91: {  	s18 =	sld [smem:$0x3FFB];
	_ =	sdelay $0x3  }
0x92: {  	_ =	strace s18  }
0x93: {  	s3 =	sld [smem:$0x3FFC];
	_ =	sdelay $0x3  }
0x94: {  	_ =	strace s3  }
0x95: {  	s3 =	sld [smem:$0x3FFD];
	_ =	sdelay $0x3  }
0x96: {  	_ =	strace s3  }
0x97: {  	_ =	strace $0x8FFFFFFF  }
0x98: {  	s19 =	sld [smem:$0x3FDB];
	_ =	sdelay $0x1  }
0x99: {  	s4 =	simm.s32 $_scs_section_size  }
0x9a: {  	s5 =	simm.s32 $_size__tile_overlayer_lowered;
	s6 =	simm.s32 $_tile_overlayer_lowered  }
0x9b: {  	s22 =	simm.s32 $0x1BFF;
	s21 =	sshll.u32 s6, $0x1;
	s3 =	sadd.s32 s4, s19  }
0x9c: {  	s7 =	simm.s32 $0x0;
	s20 =	sshll.u32 s5, $0x1;
	s5 =	sadd.s32 s21, s3  }
0x9d: {  	[timem:s7], [sflag:s22] =	dma.local [hbm:s5], s20  }
0x9e: {  	_ =	swait.ge [sflag:s22], s20  }
0x9f: {  	s4 =	ssub.s32 $0x0, s20;
	[sflag:s22] =	ssyncset.done $0x0  }
0xa0: {  	[sflag:s22] =	ssyncadd.s32 s4;
	_ =	sdelay $0x1  }
0xa1: {  	s23 =	simm.s32 $0x1B8B  }
0xa2: {  	_ =	swait.ge [sflag:s23], $0x1  }
0xa3: {  	[sflag:s23] =	ssyncset.done $0x0  }
0xa4: {  	s25 =	simm.s32 $0x1B8E;
	s24 =	sld [smem:$0x3FFE];
	[sflag:s23] =	ssyncadd.s32 $0xFFFFFFFF  }
0xa5: {  	s26 =	simm.s32 $execute0_lowered;
	[smem:$0x3FD2] =	sst s25  }
0xa6: {  	s5 =	sshll.u32 s26, $0x1;
	_ =	strace $0x80000046;
	[dreg:$0x1] =	wrdreg $0xFFFFFFFF  }
0xa7: {  	s28 =	simm.s32 $_size_execute0_lowered;
	s3 =	sadd.s32 s3, s5;
	[dreg:$0x0] =	wrdreg $0x0  }
0xa8: {  	s5 =	sshll.u32 s28, $0x1;
	[dreg:$0x2] =	wrdreg s3  }
0xa9: {  	[dreg:$0x3] =	wrdreg s5  }
0xaa: {  	[dreg:$0x4] =	wrdreg $0xC0  }
0xab: {  	_ =	task [dreg:s7], $0x5FFFF  }
0xac: {  	[dreg:$0x1] =	wrdreg $0xFFFFFFFF  }
0xad: {  	[dreg:$0x0] =	wrdreg $0x60  }
0xae: {  	[dreg:$0x2] =	wrdreg s24  }
0xaf: {  	[dreg:$0x3] =	wrdreg s2  }
0xb0: {  	[dreg:$0x4] =	wrdreg $0x9  }
0xb1: {  	_ =	task.clear_ibuf [dreg:s7], $0x5FFFF;
	_ =	strace $0x90000046  }
0xb2: {  	s29 =	simm.s32 $0x9;
	_ =	strace $0x80000048  }
0xb3: {  	_ =	swait.ge [sflag:s29], $0x1  }
0xb4: {  	[sflag:s29] =	ssyncadd.s32 $0xFFFFFFFF  }
0xb5: {  	_ =	strace $0x90000048  }
0xb6: {  	_ =	sfence  }
0xb7: {  	s30 =	sld [smem:$0x0];
	_ =	sdelay $0x2  }
0xb8: {  	s31 =	sshll.u32 s1, $0xD;
	s1 =	sshrl.u32 s1, $0x2  }
0xb9: {  	s3 =	sand.u32 $0x4000, s31;
	s1 =	sadd.s32 s1, s30  }
0xba: {  	s0 =	sor.u32 s3, s0;
	s1 =	sshll.u32 s1, $0x11  }
0xbb: {  	s0 =	sor.u32 s1, s0  }
0xbc: {  	s0 =	sadd.s32 $0x8F2B, s0  }
0xbd: {  	[sflag:s0] =	ssyncadd.remote.s32 $0x1  }
0xbe: {  	_ =	sfence.sel $0xFFFF  }
0xbf: {  	[dreg:$0x0] =	wrdreg $0xFFFFFFFF;
	(pc) =	sbr.abs _section_cstart, $3  }
0xc0: {  	[dreg:$0x1] =	wrdreg $0xFFFFFFFF  }
0xc1: {  	_ =	task.clear_ibuf [dreg:s7], $0x2FFFF;
	_ =	strace $0x9FFFFFFF  }
0xc2: {  	(tm) =	ssettm $0x7FFFFFFF  }
0xc3: {  	_ =	shalt  }
tec
execute0_lowered:
.L_overlay_start_1:
0x0: {  	(tag) =	ssettag $0x1  }
0x1: {  	v0 =	vlaneseq.u32;
	vm0 =	vcmask $0x1F14  }
0x2: {  	vm1 =	vcmask $0xF04;
	v34 =	vimm.s32 $0x0;
	v32 =	vmul.u32 $0x10, v0  }
0x3: {  	vm0 =	vmor vm1, vm0;
	vm1 =	vcmask $0x2F24;
	v33 =	vand.u32 $0x3, v0  }
0x4: {  	vm0 =	vmor vm0, vm1;
	vm1 =	vcmask $0x3F34;
	v35 =	vor.u32 $0x4, v33  }
0x5: {  	v1 =	vor.u32 $0x8, v32;
	v2 =	vor.u32 $0x108, v32;
	v3 =	vor.u32 $0x208, v32  }
0x6: {  	s4 =	rddreg [dreg:$0x0];
	v4 =	vor.u32 $0x308, v32;
	v5 =	vor.u32 $0x408, v32;
	v6 =	vor.u32 $0x508, v32  }
0x7: {  	s1 =	rddreg [dreg:$0x1];
	s3 =	srdreg.scid;
	v7 =	vor.u32 $0x608, v32;
	v8 =	vor.u32 $0x708, v32;
	v9 =	vor.u32 $0x808, v32  }
0x8: {  	s0 =	rddreg [dreg:$0x2];
	s2 =	simm.s32 $0x0;
	s9 =	simm.s32 $0x2080;
	v10 =	vor.u32 $0x908, v32;
	v11 =	vor.u32 $0xA08, v32;
	v12 =	vor.u32 $0xB08, v32  }
0x9: {  	s10 =	simm.s32 $0x2100;
	s11 =	simm.s32 $0x2300;
	s5 =	sand.u32 $0x1, s3;
	v13 =	vor.u32 $0xC08, v32;
	v14 =	vor.u32 $0xD08, v32;
	v15 =	vor.u32 $0xE08, v32  }
0xa: {  	[smem:$0x7FF] =	sst s2;
	s3 =	stileid.u32;
	s6 =	sshll.u32 s5, $0x4;
	v16 =	vor.u32 $0xF08, v32;
	v17 =	vor.u32 $0x1008, v32;
	v18 =	vor.u32 $0x1108, v32  }
0xb: {  	s12 =	simm.s32 $0x0;
	_ =	strace $0x80000047;
	v19 =	vor.u32 $0x1208, v32;
	v20 =	vor.u32 $0x1308, v32;
	v21 =	vor.u32 $0x1408, v32;
	s6 =	sor.u32 s3, s6  }
0xc: {  	s5 =	ssub.s32 $0x2, s5;
	v22 =	vor.u32 $0x1508, v32;
	v23 =	vor.u32 $0x1608, v32;
	v24 =	vor.u32 $0x1708, v32;
	s7 =	sshll.u32 s6, $0xA;
	s6 =	sshll.u32 s6, $0x1  }
0xd: {  	v25 =	vor.u32 $0x1808, v32;
	v26 =	vor.u32 $0x1908, v32;
	v27 =	vor.u32 $0x1A08, v32;
	s8 =	sshrl.u32 s5, $0x1;
	s7 =	sadd.s32 s7, s4;
	s6 =	sadd.s32 s6, s4  }
0xe: {  	v28 =	vor.u32 $0x1B08, v32;
	v29 =	vor.u32 $0x1C08, v32;
	v30 =	vor.u32 $0x1D08, v32;
	s8 =	ssub.s32 s5, s8;
	s4 =	sadd.s32 $0xC00, s7;
	s5 =	sadd.s32 $0x8C00, s6  }
0xf: {  	v31 =	vor.u32 $0x1E08, v32;
	v32 =	vor.u32 $0x1F08, v32;
	vm0 =	vmor vm0, vm1;
	s6 =	smax.u32 s8, $0x1;
	s7 =	simm.s32 $0x1;
	s8 =	simm.s32 $0x2000  }
.LBB2_1:
0x10: {  	[tilespmem:s2], [sflag:$0x1] =	stream.linear.gather [hbm4b:s4+s2], $0x2000, $0x38;
	[tilespmem:$0x2310] =	vst v63  }
0x11: {  	_ =	swait.ge [sflag:s7], $0x2000  }
0x12: {  	[sflag:s7] =	ssyncset.done $0x0  }
0x13: {  	[sflag:s7] =	ssyncadd.s32 $0xFFFFE000  }
0x14: {  	[tilespmem:s8], [sflag:$0x1] =	stream.linear.gather [hbm4b:s1+s2], $0x80, $0x38;
	[tilespmem:$0x2310] =	vst v63  }
0x15: {  	_ =	swait.ge [sflag:s7], $0x80  }
0x16: {  	[sflag:s7] =	ssyncset.done $0x0  }
0x17: {  	[sflag:s7] =	ssyncadd.s32 $0xFFFFFF80  }
0x18: {  	v36 =	vld [tilespmem:$0x2000];
	_ =	sdelay $0x1  }
0x19: {  	v37 =	vld [tilespmem:$0x2010];
	_ =	sdelay $0x1  }
0x1a: {  	v38 =	vld [tilespmem:$0x2020]  }
0x1b: {  	v39 =	vadd.f32 $0.0e+00, v36  }
0x1c: {  	v40 =	vld [tilespmem:$0x2030]  }
0x1d: {  	v37 =	vadd.f32 v37, v39  }
0x1e: {  	v60 =	vld [tilespmem:$0x2040]  }
0x1f: {  	v37 =	vadd.f32 v38, v37  }
0x20: {  	v61 =	vld [tilespmem:$0x2050]  }
0x21: {  	v37 =	vadd.f32 v40, v37  }
0x22: {  	v62 =	vld [tilespmem:$0x2060]  }
0x23: {  	v37 =	vadd.f32 v60, v37  }
0x24: {  	v63 =	vld [tilespmem:$0x2070]  }
0x25: {  	v37 =	vadd.f32 v61, v37;
	_ =	sdelay $0x1  }
0x26: {  	v37 =	vadd.f32 v62, v37;
	_ =	sdelay $0x1  }
0x27: {  	v37 =	vadd.f32 v63, v37;
	_ =	sdelay $0x1  }
0x28: {  	(xrf2) =	vadd.scan.msk.f32 $0xffff, v37;
	_ =	sdelay $0x9  }
0x29: {  	v37, _, _ =	vpop (xrf2)  }
0x2a: {  	(v2sf) =	vpush v37, $0xF  }
0x2b: {  	(v2sf) =	vpush v36, $0x0;
	_ =	sdelay $0x6  }
0x2c: {  	v36 =	vmax.f32 v36, $1.000000010e-07  }
0x2d: {  	(erf) = vrcp.f32 v36;
	_ =	sdelay $0x5  }
0x2e: {  	s13 =	spop (v2sf)  }
0x2f: {  	s14 =	spop (v2sf)  }
0x30: {  	s13 =	ssub.f32 s13, s14  }
0x31: {  	v36 =	vpop (erf)  }
0x32: {  	v36 =	vmul.f32 s13, v36;
	_ =	sdelay $0x1  }
0x33: {  	v36 =	vsub.f32 $0.0e+00, v36;
	_ =	sdelay $0x1  }
0x34: {  	v36 =	vmul.f32 $1.442695020e+00, v36;
	_ =	sdelay $0x1  }
0x35: {  	(erf) = vpow2.f32 v36;
	_ =	sdelay $0x6  }
0x36: {  	v40 =	vld [tilespmem:$0x2010];
	_ =	sdelay $0x1  }
0x37: {  	v41 =	vpop (erf)  }
0x38: {  	v37 =	vadd.f32 $1.000000000e+00, v41;
	_ =	sdelay $0x1  }
0x39: {  	v36 =	vmax.f32 v40, $1.000000010e-07;
	(erf) = vrcp.f32 v37  }
0x3a: {  	(erf) = vrcp.f32 v36;
	_ =	sdelay $0x7  }
0x3b: {  	v36 =	vpop (erf)  }
0x3c: {  	v42 =	vpop (erf)  }
0x3d: {  	v37 =	vmul.f32 s13, v42;
	_ =	sdelay $0x1  }
0x3e: {  	v37 =	vsub.f32 $0.0e+00, v37;
	_ =	sdelay $0x1  }
0x3f: {  	v37 =	vmul.f32 $1.442695020e+00, v37;
	_ =	sdelay $0x1  }
0x40: {  	(erf) = vpow2.f32 v37;
	_ =	sdelay $0x6  }
0x41: {  	v43 =	vld [tilespmem:$0x2020];
	_ =	sdelay $0x1  }
0x42: {  	v44 =	vpop (erf)  }
0x43: {  	v38 =	vadd.f32 $1.000000000e+00, v44;
	_ =	sdelay $0x1  }
0x44: {  	v37 =	vmax.f32 v43, $1.000000010e-07;
	(erf) = vrcp.f32 v38  }
0x45: {  	(erf) = vrcp.f32 v37;
	_ =	sdelay $0x7  }
0x46: {  	v45 =	vpop (erf)  }
0x47: {  	v46 =	vpop (erf)  }
0x48: {  	v38 =	vmul.f32 s13, v46;
	_ =	sdelay $0x1  }
0x49: {  	v38 =	vsub.f32 $0.0e+00, v38;
	_ =	sdelay $0x1  }
0x4a: {  	v38 =	vmul.f32 $1.442695020e+00, v38;
	_ =	sdelay $0x1  }
0x4b: {  	(erf) = vpow2.f32 v38;
	_ =	sdelay $0x6  }
0x4c: {  	v47 =	vld [tilespmem:$0x2030];
	_ =	sdelay $0x1  }
0x4d: {  	v48 =	vpop (erf)  }
0x4e: {  	v39 =	vadd.f32 $1.000000000e+00, v48;
	_ =	sdelay $0x1  }
0x4f: {  	v38 =	vmax.f32 v47, $1.000000010e-07;
	(erf) = vrcp.f32 v39  }
0x50: {  	(erf) = vrcp.f32 v38;
	_ =	sdelay $0x7  }
0x51: {  	v49 =	vpop (erf)  }
0x52: {  	v50 =	vpop (erf)  }
0x53: {  	v39 =	vmul.f32 s13, v50;
	_ =	sdelay $0x1  }
0x54: {  	v39 =	vsub.f32 $0.0e+00, v39;
	_ =	sdelay $0x1  }
0x55: {  	v39 =	vmul.f32 $1.442695020e+00, v39;
	_ =	sdelay $0x1  }
0x56: {  	(erf) = vpow2.f32 v39;
	_ =	sdelay $0x6  }
0x57: {  	v51 =	vld [tilespmem:$0x2040];
	_ =	sdelay $0x1  }
0x58: {  	v52 =	vpop (erf)  }
0x59: {  	v40 =	vadd.f32 $1.000000000e+00, v52;
	_ =	sdelay $0x1  }
0x5a: {  	v39 =	vmax.f32 v51, $1.000000010e-07;
	(erf) = vrcp.f32 v40  }
0x5b: {  	(erf) = vrcp.f32 v39;
	_ =	sdelay $0x7  }
0x5c: {  	v53 =	vpop (erf)  }
0x5d: {  	v54 =	vpop (erf)  }
0x5e: {  	v40 =	vmul.f32 s13, v54;
	_ =	sdelay $0x1  }
0x5f: {  	v40 =	vsub.f32 $0.0e+00, v40;
	_ =	sdelay $0x1  }
0x60: {  	v40 =	vmul.f32 $1.442695020e+00, v40;
	_ =	sdelay $0x1  }
0x61: {  	(erf) = vpow2.f32 v40;
	_ =	sdelay $0x6  }
0x62: {  	v55 =	vld [tilespmem:$0x2050];
	_ =	sdelay $0x1  }
0x63: {  	v41 =	vpop (erf)  }
0x64: {  	v41 =	vadd.f32 $1.000000000e+00, v41;
	_ =	sdelay $0x1  }
0x65: {  	v40 =	vmax.f32 v55, $1.000000010e-07;
	(erf) = vrcp.f32 v41  }
0x66: {  	(erf) = vrcp.f32 v40;
	_ =	sdelay $0x7  }
0x67: {  	v56 =	vpop (erf)  }
0x68: {  	v57 =	vpop (erf)  }
0x69: {  	v41 =	vmul.f32 s13, v57;
	_ =	sdelay $0x1  }
0x6a: {  	v41 =	vsub.f32 $0.0e+00, v41;
	_ =	sdelay $0x1  }
0x6b: {  	v41 =	vmul.f32 $1.442695020e+00, v41;
	_ =	sdelay $0x1  }
0x6c: {  	(erf) = vpow2.f32 v41;
	_ =	sdelay $0x6  }
0x6d: {  	v58 =	vld [tilespmem:$0x2060];
	_ =	sdelay $0x1  }
0x6e: {  	v42 =	vpop (erf)  }
0x6f: {  	v42 =	vadd.f32 $1.000000000e+00, v42;
	_ =	sdelay $0x1  }
0x70: {  	v41 =	vmax.f32 v58, $1.000000010e-07;
	(erf) = vrcp.f32 v42  }
0x71: {  	(erf) = vrcp.f32 v41;
	_ =	sdelay $0x7  }
0x72: {  	v59 =	vpop (erf)  }
0x73: {  	v60 =	vpop (erf)  }
0x74: {  	v42 =	vmul.f32 s13, v60;
	_ =	sdelay $0x1  }
0x75: {  	v42 =	vsub.f32 $0.0e+00, v42;
	_ =	sdelay $0x1  }
0x76: {  	v42 =	vmul.f32 $1.442695020e+00, v42;
	_ =	sdelay $0x1  }
0x77: {  	(erf) = vpow2.f32 v42;
	_ =	sdelay $0x6  }
0x78: {  	v61 =	vld [tilespmem:$0x2070];
	_ =	sdelay $0x1  }
0x79: {  	v43 =	vpop (erf)  }
0x7a: {  	v43 =	vadd.f32 $1.000000000e+00, v43;
	_ =	sdelay $0x1  }
0x7b: {  	v42 =	vmax.f32 v61, $1.000000010e-07;
	(erf) = vrcp.f32 v43  }
0x7c: {  	(erf) = vrcp.f32 v42;
	_ =	sdelay $0x7  }
0x7d: {  	v62 =	vpop (erf)  }
0x7e: {  	v63 =	vpop (erf)  }
0x7f: {  	v43 =	vmul.f32 s13, v63;
	_ =	sdelay $0x1  }
0x80: {  	v43 =	vsub.f32 $0.0e+00, v43;
	_ =	sdelay $0x1  }
0x81: {  	v43 =	vmul.f32 $1.442695020e+00, v43;
	_ =	sdelay $0x1  }
0x82: {  	(erf) = vpow2.f32 v43;
	_ =	sdelay $0x8  }
0x83: {  	v43 =	vpop (erf)  }
0x84: {  	v43 =	vadd.f32 $1.000000000e+00, v43;
	_ =	sdelay $0x1  }
0x85: {  	(erf) = vrcp.f32 v43  }
0x86: {  	vm1 =	veq.s32 v0, $0x0  }
0x87: {  	v36 =	vsel vm1, $0x0, v36  }
0x88: {  	[tilespmem:$0x2080] =	vst v36  }
0x89: {  	[tilespmem:$0x2090] =	vst v45  }
0x8a: {  	[tilespmem:$0x20A0] =	vst v49  }
0x8b: {  	[tilespmem:$0x20B0] =	vst v53  }
0x8c: {  	[tilespmem:$0x20C0] =	vst v56  }
0x8d: {  	[tilespmem:$0x20D0] =	vst v59  }
0x8e: {  	[tilespmem:$0x20E0] =	vst v62;
	v44 =	vpop (erf)  }
0x8f: {  	[tilespmem:$0x20F0] =	vst v44  }
0x90: {  	v36 =	vld.idx.msk [tilespmem:v1+s2+$0x0], $0xffff;
	_ =	sdelay $0x4  }
0x91: {  	v36 =	vtrunc.f32 v36  }
0x92: {  	v36 =	vcvt.f32.s32 v36;
	_ =	sdelay $0x5  }
0x93: {  	v36 =	vld.idx.msk [tilespmem:v36+s9+$0x0], $0xffff;
	_ =	sdelay $0x4  }
0x94: {  	[tilespmem:$0x2100] =	vst v36  }
0x95: {  	v36 =	vld.idx.msk [tilespmem:v2+s2+$0x0], $0xffff;
	_ =	sdelay $0x4  }
0x96: {  	v36 =	vtrunc.f32 v36  }
0x97: {  	v36 =	vcvt.f32.s32 v36;
	_ =	sdelay $0x5  }
0x98: {  	v36 =	vld.idx.msk [tilespmem:v36+s9+$0x0], $0xffff;
	_ =	sdelay $0x4  }
0x99: {  	[tilespmem:$0x2110] =	vst v36  }
0x9a: {  	v36 =	vld.idx.msk [tilespmem:v3+s2+$0x0], $0xffff;
	_ =	sdelay $0x4  }
0x9b: {  	v36 =	vtrunc.f32 v36  }
0x9c: {  	v36 =	vcvt.f32.s32 v36;
	_ =	sdelay $0x5  }
0x9d: {  	v36 =	vld.idx.msk [tilespmem:v36+s9+$0x0], $0xffff;
	_ =	sdelay $0x4  }
0x9e: {  	[tilespmem:$0x2120] =	vst v36  }
0x9f: {  	v36 =	vld.idx.msk [tilespmem:v4+s2+$0x0], $0xffff;
	_ =	sdelay $0x4  }
0xa0: {  	v36 =	vtrunc.f32 v36  }
0xa1: {  	v36 =	vcvt.f32.s32 v36;
	_ =	sdelay $0x5  }
0xa2: {  	v36 =	vld.idx.msk [tilespmem:v36+s9+$0x0], $0xffff;
	_ =	sdelay $0x4  }
0xa3: {  	[tilespmem:$0x2130] =	vst v36  }
0xa4: {  	v36 =	vld.idx.msk [tilespmem:v5+s2+$0x0], $0xffff;
	_ =	sdelay $0x4  }
0xa5: {  	v36 =	vtrunc.f32 v36  }
0xa6: {  	v36 =	vcvt.f32.s32 v36;
	_ =	sdelay $0x5  }
0xa7: {  	v36 =	vld.idx.msk [tilespmem:v36+s9+$0x0], $0xffff;
	_ =	sdelay $0x4  }
0xa8: {  	[tilespmem:$0x2140] =	vst v36  }
0xa9: {  	v36 =	vld.idx.msk [tilespmem:v6+s2+$0x0], $0xffff;
	_ =	sdelay $0x4  }
0xaa: {  	v36 =	vtrunc.f32 v36  }
0xab: {  	v36 =	vcvt.f32.s32 v36;
	_ =	sdelay $0x5  }
0xac: {  	v36 =	vld.idx.msk [tilespmem:v36+s9+$0x0], $0xffff;
	_ =	sdelay $0x4  }
0xad: {  	[tilespmem:$0x2150] =	vst v36  }
0xae: {  	v36 =	vld.idx.msk [tilespmem:v7+s2+$0x0], $0xffff;
	_ =	sdelay $0x4  }
0xaf: {  	v36 =	vtrunc.f32 v36  }
0xb0: {  	v36 =	vcvt.f32.s32 v36;
	_ =	sdelay $0x5  }
0xb1: {  	v36 =	vld.idx.msk [tilespmem:v36+s9+$0x0], $0xffff;
	_ =	sdelay $0x4  }
0xb2: {  	[tilespmem:$0x2160] =	vst v36  }
0xb3: {  	v36 =	vld.idx.msk [tilespmem:v8+s2+$0x0], $0xffff;
	_ =	sdelay $0x4  }
0xb4: {  	v36 =	vtrunc.f32 v36  }
0xb5: {  	v36 =	vcvt.f32.s32 v36;
	_ =	sdelay $0x5  }
0xb6: {  	v36 =	vld.idx.msk [tilespmem:v36+s9+$0x0], $0xffff;
	_ =	sdelay $0x4  }
0xb7: {  	[tilespmem:$0x2170] =	vst v36  }
0xb8: {  	v36 =	vld.idx.msk [tilespmem:v9+s2+$0x0], $0xffff;
	_ =	sdelay $0x4  }
0xb9: {  	v36 =	vtrunc.f32 v36  }
0xba: {  	v36 =	vcvt.f32.s32 v36;
	_ =	sdelay $0x5  }
0xbb: {  	v36 =	vld.idx.msk [tilespmem:v36+s9+$0x0], $0xffff;
	_ =	sdelay $0x4  }
0xbc: {  	[tilespmem:$0x2180] =	vst v36  }
0xbd: {  	v36 =	vld.idx.msk [tilespmem:v10+s2+$0x0], $0xffff;
	_ =	sdelay $0x4  }
0xbe: {  	v36 =	vtrunc.f32 v36  }
0xbf: {  	v36 =	vcvt.f32.s32 v36;
	_ =	sdelay $0x5  }
0xc0: {  	v36 =	vld.idx.msk [tilespmem:v36+s9+$0x0], $0xffff;
	_ =	sdelay $0x4  }
0xc1: {  	[tilespmem:$0x2190] =	vst v36  }
0xc2: {  	v36 =	vld.idx.msk [tilespmem:v11+s2+$0x0], $0xffff;
	_ =	sdelay $0x4  }
0xc3: {  	v36 =	vtrunc.f32 v36  }
0xc4: {  	v36 =	vcvt.f32.s32 v36;
	_ =	sdelay $0x5  }
0xc5: {  	v36 =	vld.idx.msk [tilespmem:v36+s9+$0x0], $0xffff;
	_ =	sdelay $0x4  }
0xc6: {  	[tilespmem:$0x21A0] =	vst v36  }
0xc7: {  	v36 =	vld.idx.msk [tilespmem:v12+s2+$0x0], $0xffff;
	_ =	sdelay $0x4  }
0xc8: {  	v36 =	vtrunc.f32 v36  }
0xc9: {  	v36 =	vcvt.f32.s32 v36;
	_ =	sdelay $0x5  }
0xca: {  	v36 =	vld.idx.msk [tilespmem:v36+s9+$0x0], $0xffff;
	_ =	sdelay $0x4  }
0xcb: {  	[tilespmem:$0x21B0] =	vst v36  }
0xcc: {  	v36 =	vld.idx.msk [tilespmem:v13+s2+$0x0], $0xffff;
	_ =	sdelay $0x4  }
0xcd: {  	v36 =	vtrunc.f32 v36  }
0xce: {  	v36 =	vcvt.f32.s32 v36;
	_ =	sdelay $0x5  }
0xcf: {  	v36 =	vld.idx.msk [tilespmem:v36+s9+$0x0], $0xffff;
	_ =	sdelay $0x4  }
0xd0: {  	[tilespmem:$0x21C0] =	vst v36  }
0xd1: {  	v36 =	vld.idx.msk [tilespmem:v14+s2+$0x0], $0xffff;
	_ =	sdelay $0x4  }
0xd2: {  	v36 =	vtrunc.f32 v36  }
0xd3: {  	v36 =	vcvt.f32.s32 v36;
	_ =	sdelay $0x5  }
0xd4: {  	v36 =	vld.idx.msk [tilespmem:v36+s9+$0x0], $0xffff;
	_ =	sdelay $0x4  }
0xd5: {  	[tilespmem:$0x21D0] =	vst v36  }
0xd6: {  	v36 =	vld.idx.msk [tilespmem:v15+s2+$0x0], $0xffff;
	_ =	sdelay $0x4  }
0xd7: {  	v36 =	vtrunc.f32 v36  }
0xd8: {  	v36 =	vcvt.f32.s32 v36;
	_ =	sdelay $0x5  }
0xd9: {  	v36 =	vld.idx.msk [tilespmem:v36+s9+$0x0], $0xffff;
	_ =	sdelay $0x4  }
0xda: {  	[tilespmem:$0x21E0] =	vst v36  }
0xdb: {  	v36 =	vld.idx.msk [tilespmem:v16+s2+$0x0], $0xffff;
	_ =	sdelay $0x4  }
0xdc: {  	v36 =	vtrunc.f32 v36  }
0xdd: {  	v36 =	vcvt.f32.s32 v36;
	_ =	sdelay $0x5  }
0xde: {  	v36 =	vld.idx.msk [tilespmem:v36+s9+$0x0], $0xffff;
	_ =	sdelay $0x4  }
0xdf: {  	[tilespmem:$0x21F0] =	vst v36  }
0xe0: {  	v36 =	vld.idx.msk [tilespmem:v17+s2+$0x0], $0xffff;
	_ =	sdelay $0x4  }
0xe1: {  	v36 =	vtrunc.f32 v36  }
0xe2: {  	v36 =	vcvt.f32.s32 v36;
	_ =	sdelay $0x5  }
0xe3: {  	v36 =	vld.idx.msk [tilespmem:v36+s9+$0x0], $0xffff;
	_ =	sdelay $0x4  }
0xe4: {  	[tilespmem:$0x2200] =	vst v36  }
0xe5: {  	v36 =	vld.idx.msk [tilespmem:v18+s2+$0x0], $0xffff;
	_ =	sdelay $0x4  }
0xe6: {  	v36 =	vtrunc.f32 v36  }
0xe7: {  	v36 =	vcvt.f32.s32 v36;
	_ =	sdelay $0x5  }
0xe8: {  	v36 =	vld.idx.msk [tilespmem:v36+s9+$0x0], $0xffff;
	_ =	sdelay $0x4  }
0xe9: {  	[tilespmem:$0x2210] =	vst v36  }
0xea: {  	v36 =	vld.idx.msk [tilespmem:v19+s2+$0x0], $0xffff;
	_ =	sdelay $0x4  }
0xeb: {  	v36 =	vtrunc.f32 v36  }
0xec: {  	v36 =	vcvt.f32.s32 v36;
	_ =	sdelay $0x5  }
0xed: {  	v36 =	vld.idx.msk [tilespmem:v36+s9+$0x0], $0xffff;
	_ =	sdelay $0x4  }
0xee: {  	[tilespmem:$0x2220] =	vst v36  }
0xef: {  	v36 =	vld.idx.msk [tilespmem:v20+s2+$0x0], $0xffff;
	_ =	sdelay $0x4  }
0xf0: {  	v36 =	vtrunc.f32 v36  }
0xf1: {  	v36 =	vcvt.f32.s32 v36;
	_ =	sdelay $0x5  }
0xf2: {  	v36 =	vld.idx.msk [tilespmem:v36+s9+$0x0], $0xffff;
	_ =	sdelay $0x4  }
0xf3: {  	[tilespmem:$0x2230] =	vst v36  }
0xf4: {  	v36 =	vld.idx.msk [tilespmem:v21+s2+$0x0], $0xffff;
	_ =	sdelay $0x4  }
0xf5: {  	v36 =	vtrunc.f32 v36  }
0xf6: {  	v36 =	vcvt.f32.s32 v36;
	_ =	sdelay $0x5  }
0xf7: {  	v36 =	vld.idx.msk [tilespmem:v36+s9+$0x0], $0xffff;
	_ =	sdelay $0x4  }
0xf8: {  	[tilespmem:$0x2240] =	vst v36  }
0xf9: {  	v36 =	vld.idx.msk [tilespmem:v22+s2+$0x0], $0xffff;
	_ =	sdelay $0x4  }
0xfa: {  	v36 =	vtrunc.f32 v36  }
0xfb: {  	v36 =	vcvt.f32.s32 v36;
	_ =	sdelay $0x5  }
0xfc: {  	v36 =	vld.idx.msk [tilespmem:v36+s9+$0x0], $0xffff;
	_ =	sdelay $0x4  }
0xfd: {  	[tilespmem:$0x2250] =	vst v36  }
0xfe: {  	v36 =	vld.idx.msk [tilespmem:v23+s2+$0x0], $0xffff;
	_ =	sdelay $0x4  }
0xff: {  	v36 =	vtrunc.f32 v36  }
0x100: {  	v36 =	vcvt.f32.s32 v36;
	_ =	sdelay $0x5  }
0x101: {  	v36 =	vld.idx.msk [tilespmem:v36+s9+$0x0], $0xffff;
	_ =	sdelay $0x4  }
0x102: {  	[tilespmem:$0x2260] =	vst v36  }
0x103: {  	v36 =	vld.idx.msk [tilespmem:v24+s2+$0x0], $0xffff;
	_ =	sdelay $0x4  }
0x104: {  	v36 =	vtrunc.f32 v36  }
0x105: {  	v36 =	vcvt.f32.s32 v36;
	_ =	sdelay $0x5  }
0x106: {  	v36 =	vld.idx.msk [tilespmem:v36+s9+$0x0], $0xffff;
	_ =	sdelay $0x4  }
0x107: {  	[tilespmem:$0x2270] =	vst v36  }
0x108: {  	v36 =	vld.idx.msk [tilespmem:v25+s2+$0x0], $0xffff;
	_ =	sdelay $0x4  }
0x109: {  	v36 =	vtrunc.f32 v36  }
0x10a: {  	v36 =	vcvt.f32.s32 v36;
	_ =	sdelay $0x5  }
0x10b: {  	v36 =	vld.idx.msk [tilespmem:v36+s9+$0x0], $0xffff;
	_ =	sdelay $0x4  }
0x10c: {  	[tilespmem:$0x2280] =	vst v36  }
0x10d: {  	v36 =	vld.idx.msk [tilespmem:v26+s2+$0x0], $0xffff;
	_ =	sdelay $0x4  }
0x10e: {  	v36 =	vtrunc.f32 v36  }
0x10f: {  	v36 =	vcvt.f32.s32 v36;
	_ =	sdelay $0x5  }
0x110: {  	v36 =	vld.idx.msk [tilespmem:v36+s9+$0x0], $0xffff;
	_ =	sdelay $0x4  }
0x111: {  	[tilespmem:$0x2290] =	vst v36  }
0x112: {  	v36 =	vld.idx.msk [tilespmem:v27+s2+$0x0], $0xffff;
	_ =	sdelay $0x4  }
0x113: {  	v36 =	vtrunc.f32 v36  }
0x114: {  	v36 =	vcvt.f32.s32 v36;
	_ =	sdelay $0x5  }
0x115: {  	v36 =	vld.idx.msk [tilespmem:v36+s9+$0x0], $0xffff;
	_ =	sdelay $0x4  }
0x116: {  	[tilespmem:$0x22A0] =	vst v36  }
0x117: {  	v36 =	vld.idx.msk [tilespmem:v28+s2+$0x0], $0xffff;
	_ =	sdelay $0x4  }
0x118: {  	v36 =	vtrunc.f32 v36  }
0x119: {  	v36 =	vcvt.f32.s32 v36;
	_ =	sdelay $0x5  }
0x11a: {  	v36 =	vld.idx.msk [tilespmem:v36+s9+$0x0], $0xffff;
	_ =	sdelay $0x4  }
0x11b: {  	[tilespmem:$0x22B0] =	vst v36  }
0x11c: {  	v36 =	vld.idx.msk [tilespmem:v29+s2+$0x0], $0xffff;
	_ =	sdelay $0x4  }
0x11d: {  	v36 =	vtrunc.f32 v36  }
0x11e: {  	v36 =	vcvt.f32.s32 v36;
	_ =	sdelay $0x5  }
0x11f: {  	v36 =	vld.idx.msk [tilespmem:v36+s9+$0x0], $0xffff;
	_ =	sdelay $0x4  }
0x120: {  	[tilespmem:$0x22C0] =	vst v36  }
0x121: {  	v36 =	vld.idx.msk [tilespmem:v30+s2+$0x0], $0xffff;
	_ =	sdelay $0x4  }
0x122: {  	v36 =	vtrunc.f32 v36  }
0x123: {  	v36 =	vcvt.f32.s32 v36;
	_ =	sdelay $0x5  }
0x124: {  	v36 =	vld.idx.msk [tilespmem:v36+s9+$0x0], $0xffff;
	_ =	sdelay $0x4  }
0x125: {  	[tilespmem:$0x22D0] =	vst v36  }
0x126: {  	v36 =	vld.idx.msk [tilespmem:v31+s2+$0x0], $0xffff;
	_ =	sdelay $0x4  }
0x127: {  	v36 =	vtrunc.f32 v36  }
0x128: {  	v36 =	vcvt.f32.s32 v36;
	_ =	sdelay $0x5  }
0x129: {  	v36 =	vld.idx.msk [tilespmem:v36+s9+$0x0], $0xffff;
	_ =	sdelay $0x4  }
0x12a: {  	[tilespmem:$0x22E0] =	vst v36  }
0x12b: {  	v36 =	vld.idx.msk [tilespmem:v32+s2+$0x0], $0xffff;
	_ =	sdelay $0x4  }
0x12c: {  	v36 =	vtrunc.f32 v36  }
0x12d: {  	v36 =	vcvt.f32.s32 v36  }
0x12e: {  	v45 =	vmov s2  }
0x12f: {  	vm1 =	veq.s32 v45, v0  }
0x130: {  	v46 =	vor.u32 s2, v0;
	vm1 =	vmand vm1, vm0  }
0x131: {  	v37 =	vshrl.u32 v46, $0x2;
	v47 =	vsel vm1, $0xFFFFFFFF, v34  }
0x132: {  	v37 =	vadd.s32 v47, v37  }
0x133: {  	v38 =	vshll.u32 v37, $0x4;
	v36 =	vld.idx.msk [tilespmem:v36+s9+$0x0], $0xffff  }
0x134: {  	s29 =	simm.s32 $0x10;
	v48 =	vor.u32 v33, v38  }
0x135: {  	v38 =	vor.u32 v35, v38;
	v49 =	vmov s29  }
0x136: {  	vm1 =	veq.s32 v49, v0  }
0x137: {  	v50 =	vor.u32 s29, v0;
	vm1 =	vmand vm1, vm0  }
0x138: {  	v51 =	vshrl.u32 v50, $0x2;
	v52 =	vsel vm1, $0xFFFFFFFF, v34;
	[tilespmem:$0x22F0] =	vst v36  }
0x139: {  	v53 =	vadd.s32 v52, v51;
	v54 =	vld.idx.msk [tilespmem:v48+s2+$0x0], $0xffff  }
0x13a: {  	s30 =	simm.s32 $0x20;
	v55 =	vshll.u32 v53, $0x4;
	v38 =	vld.idx.msk [tilespmem:v38+s2+$0x0], $0xffff  }
0x13b: {  	v39 =	vor.u32 v35, v55;
	v56 =	vmov s30  }
0x13c: {  	v57 =	vor.u32 v33, v55;
	vm1 =	veq.s32 v56, v0  }
0x13d: {  	vm1 =	vmand vm1, vm0;
	v58 =	vor.u32 s30, v0;
	v44 =	vld.idx.msk [tilespmem:v37+s10+$0x0], $0xffff  }
0x13e: {  	v59 =	vshrl.u32 v58, $0x2;
	v60 =	vsel vm1, $0xFFFFFFFF, v34  }
0x13f: {  	v37 =	vadd.s32 v60, v59;
	v45 =	vsub.f32 v54, v38  }
0x140: {  	s31 =	simm.s32 $0x30;
	v40 =	vld.idx.msk [tilespmem:v39+s2+$0x0], $0xffff;
	v62 =	vshll.u32 v37, $0x4  }
0x141: {  	v61 =	vmov s31;
	v43 =	vor.u32 v33, v62;
	v38 =	vld.idx.msk [tilespmem:v57+s2+$0x0], $0xffff;
	v63 =	vand.u32 $0x7FFFFFFF, v45  }
0x142: {  	vm1 =	veq.s32 v61, v0;
	v42 =	vor.u32 v35, v62;
	v39 =	vmul.f32 v63, v44  }
0x143: {  	vm1 =	vmand vm1, vm0;
	s13 =	simm.s32 $0x40;
	v36 =	vimm.f32 $0.0e+00;
	v41 =	vld.idx.msk [tilespmem:v53+s10+$0x0], $0xffff;
	v44 =	vor.u32 s31, v0  }
.LBB2_2:
0x144: {  	p0 =	sne.s32 s13, $0x7F0;
	v44 =	vshrl.u32 v44, $0x2;
	v45 =	vsel vm1, $0xFFFFFFFF, v34;
	v46 =	vmul.f32 $5.000000000e-01, v39  }
0x145: {  	v47 =	vmov s13;
	v45 =	vadd.s32 v45, v44  }
.Ltmp0:
0x146: {  	v48 =	vadd.f32 $-5.000000000e-01, v39;
	v44 =	vsub.f32 v38, v40;
	v38 =	vld.idx.msk [tilespmem:v43+s2+$0x0], $0xffff;
	v46 =	vmul.f32 v46, v39;
	(pc) =	sbr.rel @p0 .LBB2_2-.Ltmp0, $4  }
0x147: {  	vm2 =	vlt.f32 v39, $1.000000000e+00;
	vm1 =	veq.s32 v47, v0;
	v47 =	vshll.u32 v45, $0x4;
	v40 =	vld.idx.msk [tilespmem:v42+s2+$0x0], $0xffff  }
0x148: {  	v43 =	vor.u32 v33, v47;
	v39 =	vand.u32 $0x7FFFFFFF, v44;
	v44 =	vsel vm2, v46, v48  }
0x149: {  	v42 =	vor.u32 v35, v47;
	v39 =	vmul.f32 v39, v41;
	v36 =	vadd.f32 v44, v36  }
0x14a: {  	vm1 =	vmand vm1, vm0;
	v44 =	vor.u32 s13, v0;
	s13 =	sadd.s32 $0x10, s13;
	v41 =	vld.idx.msk [tilespmem:v37+s10+$0x0], $0xffff;
	v37 =	vmov v45  }
0x14b: {  	v44 =	vshrl.u32 v44, $0x2;
	v45 =	vsel vm1, $0xFFFFFFFF, v34  }
0x14c: {  	v44 =	vadd.s32 v45, v44  }
0x14d: {  	v45 =	vshll.u32 v44, $0x4  }
0x14e: {  	v46 =	vor.u32 v33, v45  }
0x14f: {  	v45 =	vor.u32 v35, v45;
	_ =	sdelay $0x1  }
0x150: {  	v43 =	vld.idx.msk [tilespmem:v43+s2+$0x0], $0xffff  }
0x151: {  	v42 =	vld.idx.msk [tilespmem:v42+s2+$0x0], $0xffff  }
0x152: {  	v46 =	vld.idx.msk [tilespmem:v46+s2+$0x0], $0xffff  }
0x153: {  	v38 =	vsub.f32 v38, v40;
	v51 =	vld.idx.msk [tilespmem:v45+s2+$0x0], $0xffff  }
0x154: {  	v37 =	vld.idx.msk [tilespmem:v37+s10+$0x0], $0xffff  }
0x155: {  	v52 =	vmul.f32 $5.000000000e-01, v39;
	v38 =	vand.u32 $0x7FFFFFFF, v38  }
0x156: {  	v38 =	vmul.f32 v38, v41;
	v53 =	vsub.f32 v43, v42;
	v54 =	vld.idx.msk [tilespmem:v44+s10+$0x0], $0xffff  }
0x157: {  	v56 =	vadd.f32 $-5.000000000e-01, v39;
	vm1 =	vlt.f32 v39, $1.000000000e+00;
	v55 =	vmul.f32 v52, v39  }
0x158: {  	v57 =	vmul.f32 $5.000000000e-01, v38;
	v41 =	vand.u32 $0x7FFFFFFF, v53;
	v40 =	vsub.f32 v46, v51  }
0x159: {  	v43 =	vsel vm1, v55, v56;
	v37 =	vmul.f32 v41, v37  }
0x15a: {  	v58 =	vadd.f32 $-5.000000000e-01, v38;
	v39 =	vmul.f32 v57, v38;
	v40 =	vand.u32 $0x7FFFFFFF, v40  }
0x15b: {  	vm1 =	vlt.f32 v38, $1.000000000e+00;
	v59 =	vmul.f32 $5.000000000e-01, v37;
	v40 =	vmul.f32 v40, v54  }
0x15c: {  	v36 =	vadd.f32 v43, v36;
	v39 =	vsel vm1, v39, v58  }
0x15d: {  	v60 =	vadd.f32 $-5.000000000e-01, v37;
	v38 =	vmul.f32 v59, v37;
	v42 =	vmul.f32 $5.000000000e-01, v40  }
0x15e: {  	vm1 =	vlt.f32 v37, $1.000000000e+00;
	v36 =	vadd.f32 v39, v36  }
0x15f: {  	v37 =	vsel vm1, v38, v60;
	v62 =	vadd.f32 $-5.000000000e-01, v40;
	v61 =	vmul.f32 v42, v40  }
0x160: {  	v36 =	vadd.f32 v37, v36;
	vm1 =	vlt.f32 v40, $1.000000000e+00  }
0x161: {  	v63 =	vsel vm1, v61, v62  }
0x162: {  	s12 =	sadd.s32 $0x1, s12;
	v36 =	vadd.f32 v63, v36  }
0x163: {  	p0 =	sne.s32 s12, s6  }
.Ltmp1:
0x164: {  	[tilespmem:$0x2300] =	vst v36;
	(pc) =	sbr.rel @p0 .LBB2_1-.Ltmp1, $4  }
0x165: {  	[hbm4b:s5+s2] =	stream.linear.scatter [tilespmem:s11], [sflag:$0x1], $0x10, $0x38;
	[tilespmem:$0x2310] =	vst v63  }
0x166: {  	_ =	swait.ge [sflag:s7], $0x10  }
0x167: {  	[sflag:s7] =	ssyncset.done $0x0  }
0x168: {  	[sflag:s7] =	ssyncadd.s32 $0xFFFFFFF0  }
0x169: {  	_ =	sfence.sel $0x180000  }
0x16a: {  	[bflag:$0x0] =	sbarrier.arrive $0xFFFF  }
0x16b: {  	p0 =	sne.s32 s3, $0x0;
	_ =	strace $0x90000047  }
0x16c: {  	s0 =	sadd.s32 @!p0 $0x100000, s0;
	[bflag:$0x2] =	sbarrier.arrive $0xFFFF  }
0x16d: {  	[sflag:s0] =	ssyncadd.tile.s32 @!p0 $0x1;
	_ =	shalt  }
.Lfunc_end2:
_tile_overlayer_lowered:
.L_overlay_start_2:
0x16e: {  	(tag) =	ssettag $0x2  }
0x16f: {  	s0 =	rddreg [dreg:$0x0];
	s2 =	stileid.u32  }
0x170: {  	s1 =	rddreg [dreg:$0x1];
	p0 =	sne.s32 s2, $0x0  }
0x171: {  	s3 =	rddreg [dreg:$0x2];
	[bflag:$0x3] =	sbarrier.arrive $0xFFFF;
	s2 =	simm.s32 @!p0 $0x1C01  }
0x172: {  	[timem:s3], [sflag:s2] =	dma.local @!p0 [hbm:s0], s1  }
0x173: {  	s0 =	simm.s32 @!p0 $0x1  }
0x174: {  	_ =	swait.ge @!p0 [sflag:s0], s1  }
0x175: {  	s1 =	ssub.s32 @!p0 $0x0, s1;
	[sflag:s0] =	ssyncset.done @!p0 $0x0  }
0x176: {  	[sflag:s0] =	ssyncadd.s32 @!p0 s1  }
0x177: {  	[bflag:$0x3] =	sbarrier.arrive $0xFFFF  }
0x178: {  	_ =	shalt  }

</sc_bundles>
